<compile_context>
chip_gen: v7x
topology: tpu7x:2x2x1
jax: 0.10.2.dev20260603
libtpu: 0.0.44.dev20260713+nightly
codegen_flags: <defaults>
</compile_context>

<pallas_src>
import functools

import jax
import jax.numpy as jnp
from jax import lax
from jax.experimental import pallas as pl
from jax.experimental.pallas import tpu as pltpu
from jax.experimental.pallas import tpu_sc as plsc

N = 10000
E = 320000
D = 128
NC = 2
NS = 16
NW = NC * NS
EPW = E // NW
CH = 80
NCHUNK = EPW // CH
K = 5
NBLK = NCHUNK // K
B = 4
NIDX = 3
NPAD = 10112
RPS = NPAD // NS
DPAD = 10240
DRPS = DPAD // NS

_mesh = plsc.VectorSubcoreMesh(core_axis_name="c", subcore_axis_name="s")


def _deg_body(eidx_hbm, zvec_hbm, parts_hbm, idx_v, ones_v, acc_sh, ss):
    c = lax.axis_index("c")
    s = lax.axis_index("s")
    wid = s * NC + c
    pltpu.sync_copy(zvec_hbm, acc_sh.at[pl.ds(s * DRPS, DRPS)])
    pltpu.sync_copy(eidx_hbm.at[wid], idx_v)
    one16 = jnp.ones((16,), jnp.float32)
    for j in range(8):
        ones_v[pl.ds(j * 16, 16)] = one16
    plsc.subcore_barrier()

    def body(k, carry):
        m = k // K
        kk = lax.rem(k, K)
        pltpu.async_copy(ones_v.at[pl.ds(0, CH)],
                         acc_sh.at[idx_v.at[m].at[1].at[kk]], ss, add=True)
        return carry

    lax.fori_loop(0, NCHUNK, body, 0)

    def dbody(k, carry):
        pltpu.make_async_copy(zvec_hbm.at[pl.ds(0, CH)], ones_v.at[pl.ds(0, CH)],
                              ss).wait()
        return carry

    lax.fori_loop(0, NCHUNK, dbody, 0)
    plsc.subcore_barrier()
    pltpu.sync_copy(acc_sh.at[pl.ds(s * DRPS, DRPS)],
                    parts_hbm.at[c].at[pl.ds(s * DRPS, DRPS)])


_deg_call = functools.partial(
    pl.kernel,
    out_type=jax.ShapeDtypeStruct((NC, DPAD), jnp.float32),
    mesh=_mesh,
    scratch_types=[
        pltpu.VMEM((NBLK, 2, K, CH), jnp.int32),
        pltpu.VMEM((128,), jnp.float32),
        pltpu.VMEM_SHARED((DPAD,), jnp.float32),
        pltpu.SemaphoreType.DMA,
    ],
)(_deg_body)


def _hop_body(g_hbm, eidx_hbm, zrows_hbm, out_hbm,
              idx_v, bufs_v, acc_sh, sg, ss, si):
    c = lax.axis_index("c")
    s = lax.axis_index("s")
    wid = s * NC + c
    zdesc = pltpu.async_copy(zrows_hbm, acc_sh.at[pl.ds(s * RPS, RPS)], ss)

    def drain_gather():
        pltpu.make_async_copy(g_hbm.at[pl.ds(0, CH)], bufs_v.at[0],
                              sg).wait()

    def drain_scatter():
        pltpu.make_async_copy(g_hbm.at[pl.ds(0, CH)], bufs_v.at[0],
                              ss).wait()

    def drain_idx():
        pltpu.make_async_copy(eidx_hbm.at[0].at[0], idx_v.at[0], si).wait()

    pltpu.sync_copy(eidx_hbm.at[wid].at[0], idx_v.at[0])
    pltpu.async_copy(eidx_hbm.at[wid].at[1], idx_v.at[1], si)
    pltpu.async_copy(g_hbm.at[idx_v.at[0].at[0].at[0]], bufs_v.at[0], sg)
    pltpu.async_copy(g_hbm.at[idx_v.at[0].at[0].at[1]], bufs_v.at[1], sg)
    zdesc.wait()
    plsc.subcore_barrier()

    def body(k, carry):
        m = k // K
        kk = lax.rem(k, K)
        slot = lax.rem(m, NIDX)
        b = lax.rem(k, B)
        drain_gather()

        @pl.when((kk == 2) & (m + 2 < NBLK))
        def _():
            pltpu.async_copy(eidx_hbm.at[wid].at[m + 2],
                             idx_v.at[lax.rem(m + 2, NIDX)], si)

        pltpu.async_copy(bufs_v.at[b],
                         acc_sh.at[idx_v.at[slot].at[1].at[kk]],
                         ss, add=True)

        @pl.when(k >= 2)
        def _():
            drain_scatter()

        k2 = k + 2
        m2 = k2 // K
        kk2 = lax.rem(k2, K)

        @pl.when((k2 < NCHUNK) & (kk2 == 0))
        def _():
            drain_idx()

        @pl.when(k2 < NCHUNK)
        def _():
            pltpu.async_copy(
                g_hbm.at[idx_v.at[lax.rem(m2, NIDX)].at[0].at[kk2]],
                bufs_v.at[lax.rem(k2, B)], sg)

        return carry

    lax.fori_loop(0, NCHUNK, body, 0)
    drain_scatter()
    drain_scatter()
    plsc.subcore_barrier()
    pltpu.sync_copy(acc_sh.at[pl.ds(s * RPS, RPS)],
                    out_hbm.at[c].at[pl.ds(s * RPS, RPS)])


_hop_call = functools.partial(
    pl.kernel,
    out_type=jax.ShapeDtypeStruct((NC, NPAD, D), jnp.float32),
    mesh=_mesh,
    scratch_types=[
        pltpu.VMEM((NIDX, 2, K, CH), jnp.int32),
        pltpu.VMEM((B, CH, D), jnp.float32),
        pltpu.VMEM_SHARED((NPAD, D), jnp.float32),
        pltpu.SemaphoreType.DMA,
        pltpu.SemaphoreType.DMA,
        pltpu.SemaphoreType.DMA,
    ],
)(_hop_body)


def _mm_body(x_ref, w_ref, xw_ref):
    xw_ref[...] = lax.dot_general(
        x_ref[...], w_ref[...], (((1,), (1,)), ((), ())),
        preferred_element_type=jnp.float32)


def _prep_body(parts_ref, xw_ref, g0_ref, dinv_ref):
    deg = parts_ref[0, :N] + parts_ref[1, :N] + 1.0
    dinv = lax.rsqrt(deg)[:, None]
    dinv_ref[...] = dinv
    g0_ref[...] = xw_ref[...] * dinv


def _mid_body(p_ref, g0_ref, dinv_ref, g1_ref):
    s = dinv_ref[...]
    u1 = p_ref[0, :N] + p_ref[1, :N] + g0_ref[...]
    g1_ref[...] = u1 * (s * s)


def _out_body(p_ref, g1_ref, dinv_ref, b_ref, o_ref):
    u2 = p_ref[0, :N] + p_ref[1, :N] + g1_ref[...]
    o_ref[...] = u2 * dinv_ref[...] + b_ref[...]


@jax.jit
def _run(x, src, dst, W, b):
    src3 = src.reshape(NW, NBLK, 1, K, CH)
    dst3 = dst.reshape(NW, NBLK, 1, K, CH)
    eidx = jnp.concatenate([src3, dst3], axis=2)
    zrows = jnp.zeros((RPS, D), jnp.float32)
    zvec = jnp.zeros((DRPS,), jnp.float32)
    b2 = b.reshape(1, D)

    xw = pl.pallas_call(
        _mm_body,
        out_shape=jax.ShapeDtypeStruct((N, D), jnp.float32),
    )(x, W)
    parts = _deg_call(eidx, zvec)

    g0, dinv = pl.pallas_call(
        _prep_body,
        out_shape=(jax.ShapeDtypeStruct((N, D), jnp.float32),
                   jax.ShapeDtypeStruct((N, 1), jnp.float32)),
    )(parts, xw)

    p1 = _hop_call(g0, eidx, zrows)
    g1 = pl.pallas_call(
        _mid_body,
        out_shape=jax.ShapeDtypeStruct((N, D), jnp.float32),
    )(p1, g0, dinv)

    p2 = _hop_call(g1, eidx, zrows)
    out = pl.pallas_call(
        _out_body,
        out_shape=jax.ShapeDtypeStruct((N, D), jnp.float32),
    )(p2, g1, dinv, b2)
    return out


def kernel(x, edge_index, W, b):
    src = edge_index[0].astype(jnp.int32)
    dst = edge_index[1].astype(jnp.int32)
    return _run(x, src, dst, W, b)

# --- scband reference (transcript-rebuilt; emitter-appended) ---
"""Pipeline reference for scband-sgc-2164663517734 (READ-ONLY COPY).

The authoritative reference and input builder live on the scoring server;
editing this copy changes nothing except your own understanding.
"""

import jax, jax.numpy as jnp
import numpy as np

N_NODES = 10000
N_EDGES = 320000
IN_DIM = 128
OUT_DIM = 128
K_HOPS = 2

def setup_inputs(seed: int = 0) -> dict:
    key = jax.random.key(seed)
    k1, k2, k3, k4 = jax.random.split(key, 4)
    x = jax.random.normal(k1, (N_NODES, IN_DIM), dtype=jnp.float32)
    edge_index = jax.random.randint(k2, (2, N_EDGES), 0, N_NODES, dtype=jnp.int64)
    # Linear layer params (PyG SGConv: self.lin = Linear(in_dim, out_dim))
    limit = 1.0 / np.sqrt(IN_DIM)
    W = jax.random.uniform(k3, (OUT_DIM, IN_DIM), dtype=jnp.float32, minval=-limit, maxval=limit)
    b = jax.random.uniform(k4, (OUT_DIM,), dtype=jnp.float32, minval=-limit, maxval=limit)
    return {"x": x, "edge_index": edge_index, "W": W, "b": b}

def reference(x, edge_index, W, b):
    N = x.shape[0]
    src = edge_index[0]
    dst = edge_index[1]
    # add self loops (PyG gcn_norm default add_self_loops=True)
    loop = jnp.arange(N, dtype=edge_index.dtype)
    src = jnp.concatenate([src, loop])
    dst = jnp.concatenate([dst, loop])
    # symmetric normalization: deg computed on destination nodes
    deg = jnp.zeros((N,), dtype=x.dtype).at[dst].add(1.0)
    deg_inv_sqrt = jnp.where(deg > 0, jax.lax.rsqrt(deg), 0.0)
    norm = deg_inv_sqrt[src] * deg_inv_sqrt[dst]
    h = x
    for _ in range(K_HOPS):
        msg = norm[:, None] * h[src]
        h = jnp.zeros((N, h.shape[1]), dtype=h.dtype).at[dst].add(msg)
    # linear applied after K propagation steps
    return h @ W.T + b

if __name__ == "__main__":
    import jax
    _d = setup_inputs()
    print(jax.jit(kernel)(*tuple(_d.values())))

</pallas_src>

<mosaic_0001>
#map = affine_map<(d0, d1) -> (0, 0)>
#map1 = affine_map<(d0, d1) -> (0, 0, 0, 0, 0)>
#map2 = affine_map<(d0, d1) -> (0, 0, 0)>
module attributes {stable_mosaic.version = 14 : i64} {
  func.func @_hop_body(%arg0: i32, %arg1: i32, %arg2: memref<10000x128xf32, #tpu.memory_space<hbm>>, %arg3: memref<32x25x2x5x80xi32, #tpu.memory_space<hbm>>, %arg4: memref<632x128xf32, #tpu.memory_space<hbm>>, %arg5: memref<2x10112x128xf32, #tpu.memory_space<hbm>>, %arg6: memref<3x2x5x80xi32, #tpu.memory_space<vmem>>, %arg7: memref<4x80x128xf32, #tpu.memory_space<vmem>>, %arg8: memref<10112x128xf32, #tpu.memory_space<vmem_shared>>, %arg9: memref<!tpu.dma_semaphore, #tpu.memory_space<semaphore_mem>>, %arg10: memref<!tpu.dma_semaphore, #tpu.memory_space<semaphore_mem>>, %arg11: memref<!tpu.dma_semaphore, #tpu.memory_space<semaphore_mem>>) attributes {dimension_semantics = [#tpu.dimension_semantics<core_parallel>, #tpu.dimension_semantics<subcore_parallel>], iteration_bounds = array<i64: 2, 16>, scalar_prefetch = 0 : i64, scratch_operands = 6 : i64, tpu.core_type = #tpu.core_type<sc_vector_subcore>, window_params = [{transform_indices = #map}, {transform_indices = #map1}, {transform_indices = #map}, {transform_indices = #map2}]} {
    %mul3A = arith.constant 2 : i32
    %mul3A_0 = arith.muli %arg1, %mul3A : i32
    %add3A = arith.addi %mul3A_0, %arg0 : i32
    %mul3A_1 = arith.constant 632 : i32
    %mul3A_2 = arith.muli %arg1, %mul3A_1 : i32
    %dma_start3A = arith.constant 0 : i32
    %dma_start3A_3 = tpu.memref_slice %arg8[%mul3A_2, %dma_start3A] : memref<10112x128xf32, #tpu.memory_space<vmem_shared>> -> memref<632x128xf32, #tpu.memory_space<vmem_shared>>
    tpu.enqueue_dma source(%arg4 : memref<632x128xf32, #tpu.memory_space<hbm>>) target(%dma_start3A_3 : memref<632x128xf32, #tpu.memory_space<vmem_shared>>) target_semaphore(%arg10 : memref<!tpu.dma_semaphore, #tpu.memory_space<semaphore_mem>>)
    %run_scoped3A = arith.constant 0 : i32
    %run_scoped3A_4 = arith.constant 0 : i32
    "tpu.region"() ({
      %run_scoped3A_126 = tpu.sem_alloc : memref<!tpu.dma_semaphore, #tpu.memory_space<semaphore_mem>>
      %dma_start3A_127 = arith.constant 0 : i32
      %dma_start3A_128 = arith.constant 0 : i32
      %dma_start3A_129 = arith.constant 0 : i32
      %dma_start3A_130 = tpu.memref_slice %arg6[%run_scoped3A_4, %dma_start3A_127, %dma_start3A_128, %dma_start3A_129] : memref<3x2x5x80xi32, #tpu.memory_space<vmem>> -> memref<1x2x5x80xi32, #tpu.memory_space<vmem>>
      %dma_start3A_131 = tpu.memref_squeeze %dma_start3A_130 : memref<1x2x5x80xi32, #tpu.memory_space<vmem>> -> memref<2x5x80xi32, #tpu.memory_space<vmem>>
      %dma_start3A_132 = arith.constant 0 : i32
      %dma_start3A_133 = arith.constant 0 : i32
      %dma_start3A_134 = arith.constant 0 : i32
      %dma_start3A_135 = arith.constant 0 : i32
      %dma_start3A_136 = tpu.memref_slice %arg3[%add3A, %dma_start3A_132, %dma_start3A_133, %dma_start3A_134, %dma_start3A_135] : memref<32x25x2x5x80xi32, #tpu.memory_space<hbm>> -> memref<1x25x2x5x80xi32, #tpu.memory_space<hbm>>
      %dma_start3A_137 = tpu.memref_squeeze %dma_start3A_136 : memref<1x25x2x5x80xi32, #tpu.memory_space<hbm>> -> memref<25x2x5x80xi32, #tpu.memory_space<hbm>>
      %dma_start3A_138 = arith.constant 0 : i32
      %dma_start3A_139 = arith.constant 0 : i32
      %dma_start3A_140 = arith.constant 0 : i32
      %dma_start3A_141 = tpu.memref_slice %dma_start3A_137[%run_scoped3A, %dma_start3A_138, %dma_start3A_139, %dma_start3A_140] : memref<25x2x5x80xi32, #tpu.memory_space<hbm>> -> memref<1x2x5x80xi32, #tpu.memory_space<hbm>>
      %dma_start3A_142 = tpu.memref_squeeze %dma_start3A_141 : memref<1x2x5x80xi32, #tpu.memory_space<hbm>> -> memref<2x5x80xi32, #tpu.memory_space<hbm>>
      %dma_start3A_143 = arith.constant 0 : i32
      %dma_start3A_144 = arith.constant 0 : i32
      %dma_start3A_145 = arith.constant 0 : i32
      %dma_start3A_146 = tpu.memref_slice %arg6[%run_scoped3A_4, %dma_start3A_143, %dma_start3A_144, %dma_start3A_145] : memref<3x2x5x80xi32, #tpu.memory_space<vmem>> -> memref<1x2x5x80xi32, #tpu.memory_space<vmem>>
      %dma_start3A_147 = tpu.memref_squeeze %dma_start3A_146 : memref<1x2x5x80xi32, #tpu.memory_space<vmem>> -> memref<2x5x80xi32, #tpu.memory_space<vmem>>
      %dma_start3A_148 = arith.constant 0 : i32
      %dma_start3A_149 = arith.constant 0 : i32
      %dma_start3A_150 = arith.constant 0 : i32
      %dma_start3A_151 = arith.constant 0 : i32
      %dma_start3A_152 = tpu.memref_slice %arg3[%add3A, %dma_start3A_148, %dma_start3A_149, %dma_start3A_150, %dma_start3A_151] : memref<32x25x2x5x80xi32, #tpu.memory_space<hbm>> -> memref<1x25x2x5x80xi32, #tpu.memory_space<hbm>>
      %dma_start3A_153 = tpu.memref_squeeze %dma_start3A_152 : memref<1x25x2x5x80xi32, #tpu.memory_space<hbm>> -> memref<25x2x5x80xi32, #tpu.memory_space<hbm>>
      %dma_start3A_154 = arith.constant 0 : i32
      %dma_start3A_155 = arith.constant 0 : i32
      %dma_start3A_156 = arith.constant 0 : i32
      %dma_start3A_157 = tpu.memref_slice %dma_start3A_153[%run_scoped3A, %dma_start3A_154, %dma_start3A_155, %dma_start3A_156] : memref<25x2x5x80xi32, #tpu.memory_space<hbm>> -> memref<1x2x5x80xi32, #tpu.memory_space<hbm>>
      %dma_start3A_158 = tpu.memref_squeeze %dma_start3A_157 : memref<1x2x5x80xi32, #tpu.memory_space<hbm>> -> memref<2x5x80xi32, #tpu.memory_space<hbm>>
      tpu.enqueue_dma source(%dma_start3A_158 : memref<2x5x80xi32, #tpu.memory_space<hbm>>) target(%dma_start3A_147 : memref<2x5x80xi32, #tpu.memory_space<vmem>>) target_semaphore(%run_scoped3A_126 : memref<!tpu.dma_semaphore, #tpu.memory_space<semaphore_mem>>)
      %dma_wait3A_159 = arith.constant 0 : i32
      %dma_wait3A_160 = arith.constant 0 : i32
      %dma_wait3A_161 = arith.constant 0 : i32
      %dma_wait3A_162 = tpu.memref_slice %arg6[%run_scoped3A_4, %dma_wait3A_159, %dma_wait3A_160, %dma_wait3A_161] : memref<3x2x5x80xi32, #tpu.memory_space<vmem>> -> memref<1x2x5x80xi32, #tpu.memory_space<vmem>>
      %dma_wait3A_163 = tpu.memref_squeeze %dma_wait3A_162 : memref<1x2x5x80xi32, #tpu.memory_space<vmem>> -> memref<2x5x80xi32, #tpu.memory_space<vmem>>
      %dma_wait3A_164 = arith.constant 0 : i32
      %dma_wait3A_165 = arith.constant 0 : i32
      %dma_wait3A_166 = arith.constant 0 : i32
      %dma_wait3A_167 = arith.constant 0 : i32
      %dma_wait3A_168 = tpu.memref_slice %arg3[%add3A, %dma_wait3A_164, %dma_wait3A_165, %dma_wait3A_166, %dma_wait3A_167] : memref<32x25x2x5x80xi32, #tpu.memory_space<hbm>> -> memref<1x25x2x5x80xi32, #tpu.memory_space<hbm>>
      %dma_wait3A_169 = tpu.memref_squeeze %dma_wait3A_168 : memref<1x25x2x5x80xi32, #tpu.memory_space<hbm>> -> memref<25x2x5x80xi32, #tpu.memory_space<hbm>>
      %dma_wait3A_170 = arith.constant 0 : i32
      %dma_wait3A_171 = arith.constant 0 : i32
      %dma_wait3A_172 = arith.constant 0 : i32
      %dma_wait3A_173 = tpu.memref_slice %dma_wait3A_169[%run_scoped3A, %dma_wait3A_170, %dma_wait3A_171, %dma_wait3A_172] : memref<25x2x5x80xi32, #tpu.memory_space<hbm>> -> memref<1x2x5x80xi32, #tpu.memory_space<hbm>>
      %dma_wait3A_174 = tpu.memref_squeeze %dma_wait3A_173 : memref<1x2x5x80xi32, #tpu.memory_space<hbm>> -> memref<2x5x80xi32, #tpu.memory_space<hbm>>
      %dma_wait3A_175 = arith.constant 0 : i32
      %dma_wait3A_176 = arith.constant 0 : i32
      %dma_wait3A_177 = arith.constant 0 : i32
      %dma_wait3A_178 = tpu.memref_slice %arg6[%run_scoped3A_4, %dma_wait3A_175, %dma_wait3A_176, %dma_wait3A_177] : memref<3x2x5x80xi32, #tpu.memory_space<vmem>> -> memref<1x2x5x80xi32, #tpu.memory_space<vmem>>
      %dma_wait3A_179 = tpu.memref_squeeze %dma_wait3A_178 : memref<1x2x5x80xi32, #tpu.memory_space<vmem>> -> memref<2x5x80xi32, #tpu.memory_space<vmem>>
      %dma_wait3A_180 = arith.constant 0 : i32
      %dma_wait3A_181 = arith.constant 0 : i32
      %dma_wait3A_182 = arith.constant 0 : i32
      %dma_wait3A_183 = arith.constant 0 : i32
      %dma_wait3A_184 = tpu.memref_slice %arg3[%add3A, %dma_wait3A_180, %dma_wait3A_181, %dma_wait3A_182, %dma_wait3A_183] : memref<32x25x2x5x80xi32, #tpu.memory_space<hbm>> -> memref<1x25x2x5x80xi32, #tpu.memory_space<hbm>>
      %dma_wait3A_185 = tpu.memref_squeeze %dma_wait3A_184 : memref<1x25x2x5x80xi32, #tpu.memory_space<hbm>> -> memref<25x2x5x80xi32, #tpu.memory_space<hbm>>
      %dma_wait3A_186 = arith.constant 0 : i32
      %dma_wait3A_187 = arith.constant 0 : i32
      %dma_wait3A_188 = arith.constant 0 : i32
      %dma_wait3A_189 = tpu.memref_slice %dma_wait3A_185[%run_scoped3A, %dma_wait3A_186, %dma_wait3A_187, %dma_wait3A_188] : memref<25x2x5x80xi32, #tpu.memory_space<hbm>> -> memref<1x2x5x80xi32, #tpu.memory_space<hbm>>
      %dma_wait3A_190 = tpu.memref_squeeze %dma_wait3A_189 : memref<1x2x5x80xi32, #tpu.memory_space<hbm>> -> memref<2x5x80xi32, #tpu.memory_space<hbm>>
      tpu.wait_dma2 semaphore(%run_scoped3A_126 : memref<!tpu.dma_semaphore, #tpu.memory_space<semaphore_mem>>) src(%dma_wait3A_190 : memref<2x5x80xi32, #tpu.memory_space<hbm>>) dst(%dma_wait3A_179 : memref<2x5x80xi32, #tpu.memory_space<vmem>>)
      tpu.yield
    }) : () -> ()
    %dma_start3A_5 = arith.constant 1 : i32
    %dma_start3A_6 = arith.constant 1 : i32
    %dma_start3A_7 = arith.constant 0 : i32
    %dma_start3A_8 = arith.constant 0 : i32
    %dma_start3A_9 = arith.constant 0 : i32
    %dma_start3A_10 = tpu.memref_slice %arg6[%dma_start3A_6, %dma_start3A_7, %dma_start3A_8, %dma_start3A_9] : memref<3x2x5x80xi32, #tpu.memory_space<vmem>> -> memref<1x2x5x80xi32, #tpu.memory_space<vmem>>
    %dma_start3A_11 = tpu.memref_squeeze %dma_start3A_10 : memref<1x2x5x80xi32, #tpu.memory_space<vmem>> -> memref<2x5x80xi32, #tpu.memory_space<vmem>>
    %dma_start3A_12 = arith.constant 0 : i32
    %dma_start3A_13 = arith.constant 0 : i32
    %dma_start3A_14 = arith.constant 0 : i32
    %dma_start3A_15 = arith.constant 0 : i32
    %dma_start3A_16 = tpu.memref_slice %arg3[%add3A, %dma_start3A_12, %dma_start3A_13, %dma_start3A_14, %dma_start3A_15] : memref<32x25x2x5x80xi32, #tpu.memory_space<hbm>> -> memref<1x25x2x5x80xi32, #tpu.memory_space<hbm>>
    %dma_start3A_17 = tpu.memref_squeeze %dma_start3A_16 : memref<1x25x2x5x80xi32, #tpu.memory_space<hbm>> -> memref<25x2x5x80xi32, #tpu.memory_space<hbm>>
    %dma_start3A_18 = arith.constant 0 : i32
    %dma_start3A_19 = arith.constant 0 : i32
    %dma_start3A_20 = arith.constant 0 : i32
    %dma_start3A_21 = tpu.memref_slice %dma_start3A_17[%dma_start3A_5, %dma_start3A_18, %dma_start3A_19, %dma_start3A_20] : memref<25x2x5x80xi32, #tpu.memory_space<hbm>> -> memref<1x2x5x80xi32, #tpu.memory_space<hbm>>
    %dma_start3A_22 = tpu.memref_squeeze %dma_start3A_21 : memref<1x2x5x80xi32, #tpu.memory_space<hbm>> -> memref<2x5x80xi32, #tpu.memory_space<hbm>>
    %dma_start3A_23 = arith.constant 0 : i32
    %dma_start3A_24 = arith.constant 0 : i32
    %dma_start3A_25 = arith.constant 0 : i32
    %dma_start3A_26 = tpu.memref_slice %arg6[%dma_start3A_6, %dma_start3A_23, %dma_start3A_24, %dma_start3A_25] : memref<3x2x5x80xi32, #tpu.memory_space<vmem>> -> memref<1x2x5x80xi32, #tpu.memory_space<vmem>>
    %dma_start3A_27 = tpu.memref_squeeze %dma_start3A_26 : memref<1x2x5x80xi32, #tpu.memory_space<vmem>> -> memref<2x5x80xi32, #tpu.memory_space<vmem>>
    %dma_start3A_28 = arith.constant 0 : i32
    %dma_start3A_29 = arith.constant 0 : i32
    %dma_start3A_30 = arith.constant 0 : i32
    %dma_start3A_31 = arith.constant 0 : i32
    %dma_start3A_32 = tpu.memref_slice %arg3[%add3A, %dma_start3A_28, %dma_start3A_29, %dma_start3A_30, %dma_start3A_31] : memref<32x25x2x5x80xi32, #tpu.memory_space<hbm>> -> memref<1x25x2x5x80xi32, #tpu.memory_space<hbm>>
    %dma_start3A_33 = tpu.memref_squeeze %dma_start3A_32 : memref<1x25x2x5x80xi32, #tpu.memory_space<hbm>> -> memref<25x2x5x80xi32, #tpu.memory_space<hbm>>
    %dma_start3A_34 = arith.constant 0 : i32
    %dma_start3A_35 = arith.constant 0 : i32
    %dma_start3A_36 = arith.constant 0 : i32
    %dma_start3A_37 = tpu.memref_slice %dma_start3A_33[%dma_start3A_5, %dma_start3A_34, %dma_start3A_35, %dma_start3A_36] : memref<25x2x5x80xi32, #tpu.memory_space<hbm>> -> memref<1x2x5x80xi32, #tpu.memory_space<hbm>>
    %dma_start3A_38 = tpu.memref_squeeze %dma_start3A_37 : memref<1x2x5x80xi32, #tpu.memory_space<hbm>> -> memref<2x5x80xi32, #tpu.memory_space<hbm>>
    tpu.enqueue_dma source(%dma_start3A_38 : memref<2x5x80xi32, #tpu.memory_space<hbm>>) target(%dma_start3A_27 : memref<2x5x80xi32, #tpu.memory_space<vmem>>) target_semaphore(%arg11 : memref<!tpu.dma_semaphore, #tpu.memory_space<semaphore_mem>>)
    %dma_start3A_39 = arith.constant 0 : i32
    %dma_start3A_40 = arith.constant 0 : i32
    %dma_start3A_41 = arith.constant 0 : i32
    %dma_start3A_42 = arith.constant 0 : i32
    %dma_start3A_43 = arith.constant 0 : i32
    %dma_start3A_44 = arith.constant 0 : i32
    %dma_start3A_45 = tpu.memref_slice %arg7[%dma_start3A_42, %dma_start3A_43, %dma_start3A_44] : memref<4x80x128xf32, #tpu.memory_space<vmem>> -> memref<1x80x128xf32, #tpu.memory_space<vmem>>
    %dma_start3A_46 = tpu.memref_squeeze %dma_start3A_45 : memref<1x80x128xf32, #tpu.memory_space<vmem>> -> memref<80x128xf32, #tpu.memory_space<vmem>>
    %dma_start3A_47 = arith.constant 0 : i32
    %dma_start3A_48 = arith.constant 0 : i32
    %dma_start3A_49 = arith.constant 0 : i32
    %dma_start3A_50 = tpu.memref_slice %arg6[%dma_start3A_39, %dma_start3A_47, %dma_start3A_48, %dma_start3A_49] : memref<3x2x5x80xi32, #tpu.memory_space<vmem>> -> memref<1x2x5x80xi32, #tpu.memory_space<vmem>>
    %dma_start3A_51 = tpu.memref_squeeze %dma_start3A_50 : memref<1x2x5x80xi32, #tpu.memory_space<vmem>> -> memref<2x5x80xi32, #tpu.memory_space<vmem>>
    %dma_start3A_52 = arith.constant 0 : i32
    %dma_start3A_53 = arith.constant 0 : i32
    %dma_start3A_54 = tpu.memref_slice %dma_start3A_51[%dma_start3A_40, %dma_start3A_52, %dma_start3A_53] : memref<2x5x80xi32, #tpu.memory_space<vmem>> -> memref<1x5x80xi32, #tpu.memory_space<vmem>>
    %dma_start3A_55 = tpu.memref_squeeze %dma_start3A_54 : memref<1x5x80xi32, #tpu.memory_space<vmem>> -> memref<5x80xi32, #tpu.memory_space<vmem>>
    %dma_start3A_56 = arith.constant 0 : i32
    %dma_start3A_57 = tpu.memref_slice %dma_start3A_55[%dma_start3A_41, %dma_start3A_56] : memref<5x80xi32, #tpu.memory_space<vmem>> -> memref<1x80xi32, #tpu.memory_space<vmem>>
    %dma_start3A_58 = tpu.memref_squeeze %dma_start3A_57 : memref<1x80xi32, #tpu.memory_space<vmem>> -> memref<80xi32, #tpu.memory_space<vmem>>
    %dma_start3A_59 = arith.constant 0 : i32
    %dma_start3A_60 = arith.constant 0 : i32
    %dma_start3A_61 = tpu.memref_slice %arg2[%dma_start3A_59, %dma_start3A_60] : memref<10000x128xf32, #tpu.memory_space<hbm>> -> memref<10000x128xf32, #tpu.memory_space<hbm>>
    tpu.enqueue_indirect_dma source(%dma_start3A_61 : memref<10000x128xf32, #tpu.memory_space<hbm>>) target(%dma_start3A_46 : memref<80x128xf32, #tpu.memory_space<vmem>>) offsets(%dma_start3A_58 : memref<80xi32, #tpu.memory_space<vmem>>) semaphore(%arg9 : memref<!tpu.dma_semaphore, #tpu.memory_space<semaphore_mem>>)
    %dma_start3A_62 = arith.constant 0 : i32
    %dma_start3A_63 = arith.constant 0 : i32
    %dma_start3A_64 = arith.constant 1 : i32
    %dma_start3A_65 = arith.constant 1 : i32
    %dma_start3A_66 = arith.constant 0 : i32
    %dma_start3A_67 = arith.constant 0 : i32
    %dma_start3A_68 = tpu.memref_slice %arg7[%dma_start3A_65, %dma_start3A_66, %dma_start3A_67] : memref<4x80x128xf32, #tpu.memory_space<vmem>> -> memref<1x80x128xf32, #tpu.memory_space<vmem>>
    %dma_start3A_69 = tpu.memref_squeeze %dma_start3A_68 : memref<1x80x128xf32, #tpu.memory_space<vmem>> -> memref<80x128xf32, #tpu.memory_space<vmem>>
    %dma_start3A_70 = arith.constant 0 : i32
    %dma_start3A_71 = arith.constant 0 : i32
    %dma_start3A_72 = arith.constant 0 : i32
    %dma_start3A_73 = tpu.memref_slice %arg6[%dma_start3A_62, %dma_start3A_70, %dma_start3A_71, %dma_start3A_72] : memref<3x2x5x80xi32, #tpu.memory_space<vmem>> -> memref<1x2x5x80xi32, #tpu.memory_space<vmem>>
    %dma_start3A_74 = tpu.memref_squeeze %dma_start3A_73 : memref<1x2x5x80xi32, #tpu.memory_space<vmem>> -> memref<2x5x80xi32, #tpu.memory_space<vmem>>
    %dma_start3A_75 = arith.constant 0 : i32
    %dma_start3A_76 = arith.constant 0 : i32
    %dma_start3A_77 = tpu.memref_slice %dma_start3A_74[%dma_start3A_63, %dma_start3A_75, %dma_start3A_76] : memref<2x5x80xi32, #tpu.memory_space<vmem>> -> memref<1x5x80xi32, #tpu.memory_space<vmem>>
    %dma_start3A_78 = tpu.memref_squeeze %dma_start3A_77 : memref<1x5x80xi32, #tpu.memory_space<vmem>> -> memref<5x80xi32, #tpu.memory_space<vmem>>
    %dma_start3A_79 = arith.constant 0 : i32
    %dma_start3A_80 = tpu.memref_slice %dma_start3A_78[%dma_start3A_64, %dma_start3A_79] : memref<5x80xi32, #tpu.memory_space<vmem>> -> memref<1x80xi32, #tpu.memory_space<vmem>>
    %dma_start3A_81 = tpu.memref_squeeze %dma_start3A_80 : memref<1x80xi32, #tpu.memory_space<vmem>> -> memref<80xi32, #tpu.memory_space<vmem>>
    %dma_start3A_82 = arith.constant 0 : i32
    %dma_start3A_83 = arith.constant 0 : i32
    %dma_start3A_84 = tpu.memref_slice %arg2[%dma_start3A_82, %dma_start3A_83] : memref<10000x128xf32, #tpu.memory_space<hbm>> -> memref<10000x128xf32, #tpu.memory_space<hbm>>
    tpu.enqueue_indirect_dma source(%dma_start3A_84 : memref<10000x128xf32, #tpu.memory_space<hbm>>) target(%dma_start3A_69 : memref<80x128xf32, #tpu.memory_space<vmem>>) offsets(%dma_start3A_81 : memref<80xi32, #tpu.memory_space<vmem>>) semaphore(%arg9 : memref<!tpu.dma_semaphore, #tpu.memory_space<semaphore_mem>>)
    %dma_wait3A = arith.constant 0 : i32
    %dma_wait3A_85 = tpu.memref_slice %arg8[%mul3A_2, %dma_wait3A] : memref<10112x128xf32, #tpu.memory_space<vmem_shared>> -> memref<632x128xf32, #tpu.memory_space<vmem_shared>>
    tpu.wait_dma2 semaphore(%arg10 : memref<!tpu.dma_semaphore, #tpu.memory_space<semaphore_mem>>) src(%arg4 : memref<632x128xf32, #tpu.memory_space<hbm>>) dst(%dma_wait3A_85 : memref<632x128xf32, #tpu.memory_space<vmem_shared>>)
    %barrier3A = arith.constant 0 : index
    tpu.barrier barrier_id(%barrier3A)
    %scan3A = arith.constant 0 : i32
    %scan3A_86 = arith.constant 0 : i32
    %scan3A_87 = arith.constant 125 : i32
    %scan3A_88 = arith.addi %scan3A_86, %scan3A_87 : i32
    %scan3A_89 = arith.constant 1 : i32
    scf.for %scan3A_126 = %scan3A_86 to %scan3A_88 step %scan3A_89  : i32 {
      %jit3A = arith.constant 5 : i32
      %div3A = arith.divsi %scan3A_126, %jit3A : i32
      %sign3A = arith.constant 0 : i32
      %sign3A_127 = arith.cmpi sgt, %scan3A_126, %sign3A : i32
      %sign3A_128 = arith.extui %sign3A_127 : i1 to i32
      %sign3A_129 = arith.constant 0 : i32
      %sign3A_130 = arith.cmpi slt, %scan3A_126, %sign3A_129 : i32
      %sign3A_131 = arith.extui %sign3A_130 : i1 to i32
      %sign3A_132 = arith.subi %sign3A_128, %sign3A_131 : i32
      %sign3A_133 = arith.constant 0 : i32
      %sign3A_134 = arith.cmpi sgt, %jit3A, %sign3A_133 : i32
      %sign3A_135 = arith.extui %sign3A_134 : i1 to i32
      %sign3A_136 = arith.constant 0 : i32
      %sign3A_137 = arith.cmpi slt, %jit3A, %sign3A_136 : i32
      %sign3A_138 = arith.extui %sign3A_137 : i1 to i32
      %sign3A_139 = arith.subi %sign3A_135, %sign3A_138 : i32
      %ne3A = arith.cmpi ne, %sign3A_132, %sign3A_139 : i32
      %rem3A = arith.remsi %scan3A_126, %jit3A : i32
      %ne3A_140 = arith.constant 0 : i32
      %ne3A_141 = arith.cmpi ne, %rem3A, %ne3A_140 : i32
      %and3A = arith.andi %ne3A, %ne3A_141 : i1
      %sub3A = arith.constant 1 : i32
      %sub3A_142 = arith.subi %div3A, %sub3A : i32
      %select_n3A = arith.select %and3A, %sub3A_142, %div3A : i32
      %rem3A_143 = arith.constant 5 : i32
      %rem3A_144 = arith.remsi %scan3A_126, %rem3A_143 : i32
      %rem3A_145 = arith.constant 3 : i32
      %rem3A_146 = arith.remsi %select_n3A, %rem3A_145 : i32
      %rem3A_147 = arith.constant 4 : i32
      %rem3A_148 = arith.remsi %scan3A_126, %rem3A_147 : i32
      %dma_wait3A_149 = arith.constant 0 : i32
      %dma_wait3A_150 = arith.constant 0 : i32
      %dma_wait3A_151 = arith.constant 0 : i32
      %dma_wait3A_152 = tpu.memref_slice %arg7[%dma_wait3A_149, %dma_wait3A_150, %dma_wait3A_151] : memref<4x80x128xf32, #tpu.memory_space<vmem>> -> memref<1x80x128xf32, #tpu.memory_space<vmem>>
      %dma_wait3A_153 = tpu.memref_squeeze %dma_wait3A_152 : memref<1x80x128xf32, #tpu.memory_space<vmem>> -> memref<80x128xf32, #tpu.memory_space<vmem>>
      %dma_wait3A_154 = arith.constant 0 : i32
      %dma_wait3A_155 = arith.constant 0 : i32
      %dma_wait3A_156 = tpu.memref_slice %arg2[%dma_wait3A_154, %dma_wait3A_155] : memref<10000x128xf32, #tpu.memory_space<hbm>> -> memref<80x128xf32, #tpu.memory_space<hbm>>
      %dma_wait3A_157 = arith.constant 0 : i32
      %dma_wait3A_158 = arith.constant 0 : i32
      %dma_wait3A_159 = tpu.memref_slice %arg7[%dma_wait3A_149, %dma_wait3A_157, %dma_wait3A_158] : memref<4x80x128xf32, #tpu.memory_space<vmem>> -> memref<1x80x128xf32, #tpu.memory_space<vmem>>
      %dma_wait3A_160 = tpu.memref_squeeze %dma_wait3A_159 : memref<1x80x128xf32, #tpu.memory_space<vmem>> -> memref<80x128xf32, #tpu.memory_space<vmem>>
      %dma_wait3A_161 = arith.constant 0 : i32
      %dma_wait3A_162 = arith.constant 0 : i32
      %dma_wait3A_163 = tpu.memref_slice %arg2[%dma_wait3A_161, %dma_wait3A_162] : memref<10000x128xf32, #tpu.memory_space<hbm>> -> memref<80x128xf32, #tpu.memory_space<hbm>>
      tpu.wait_dma2 semaphore(%arg9 : memref<!tpu.dma_semaphore, #tpu.memory_space<semaphore_mem>>) src(%dma_wait3A_163 : memref<80x128xf32, #tpu.memory_space<hbm>>) dst(%dma_wait3A_160 : memref<80x128xf32, #tpu.memory_space<vmem>>)
      %eq3A = arith.constant 2 : i32
      %eq3A_164 = arith.cmpi eq, %rem3A_144, %eq3A : i32
      %add3A_165 = arith.constant 2 : i32
      %add3A_166 = arith.addi %select_n3A, %add3A_165 : i32
      %lt3A = arith.constant 25 : i32
      %lt3A_167 = arith.cmpi slt, %add3A_166, %lt3A : i32
      %and3A_168 = arith.andi %eq3A_164, %lt3A_167 : i1
      %convert_element_type3A = arith.extui %and3A_168 : i1 to i32
      %cond3A = arith.constant 0 : i32
      %cond3A_169 = arith.cmpi ne, %convert_element_type3A, %cond3A : i32
      scf.if %cond3A_169 {
        %add3A_235 = arith.constant 2 : i32
        %add3A_236 = arith.addi %select_n3A, %add3A_235 : i32
        %add3A_237 = arith.constant 2 : i32
        %add3A_238 = arith.addi %select_n3A, %add3A_237 : i32
        %rem3A_239 = arith.constant 3 : i32
        %rem3A_240 = arith.remsi %add3A_238, %rem3A_239 : i32
        %dma_start3A_241 = arith.constant 0 : i32
        %dma_start3A_242 = arith.constant 0 : i32
        %dma_start3A_243 = arith.constant 0 : i32
        %dma_start3A_244 = tpu.memref_slice %arg6[%rem3A_240, %dma_start3A_241, %dma_start3A_242, %dma_start3A_243] : memref<3x2x5x80xi32, #tpu.memory_space<vmem>> -> memref<1x2x5x80xi32, #tpu.memory_space<vmem>>
        %dma_start3A_245 = tpu.memref_squeeze %dma_start3A_244 : memref<1x2x5x80xi32, #tpu.memory_space<vmem>> -> memref<2x5x80xi32, #tpu.memory_space<vmem>>
        %dma_start3A_246 = arith.constant 0 : i32
        %dma_start3A_247 = arith.constant 0 : i32
        %dma_start3A_248 = arith.constant 0 : i32
        %dma_start3A_249 = arith.constant 0 : i32
        %dma_start3A_250 = tpu.memref_slice %arg3[%add3A, %dma_start3A_246, %dma_start3A_247, %dma_start3A_248, %dma_start3A_249] : memref<32x25x2x5x80xi32, #tpu.memory_space<hbm>> -> memref<1x25x2x5x80xi32, #tpu.memory_space<hbm>>
        %dma_start3A_251 = tpu.memref_squeeze %dma_start3A_250 : memref<1x25x2x5x80xi32, #tpu.memory_space<hbm>> -> memref<25x2x5x80xi32, #tpu.memory_space<hbm>>
        %dma_start3A_252 = arith.constant 0 : i32
        %dma_start3A_253 = arith.constant 0 : i32
        %dma_start3A_254 = arith.constant 0 : i32
        %dma_start3A_255 = tpu.memref_slice %dma_start3A_251[%add3A_236, %dma_start3A_252, %dma_start3A_253, %dma_start3A_254] : memref<25x2x5x80xi32, #tpu.memory_space<hbm>> -> memref<1x2x5x80xi32, #tpu.memory_space<hbm>>
        %dma_start3A_256 = tpu.memref_squeeze %dma_start3A_255 : memref<1x2x5x80xi32, #tpu.memory_space<hbm>> -> memref<2x5x80xi32, #tpu.memory_space<hbm>>
        %dma_start3A_257 = arith.constant 0 : i32
        %dma_start3A_258 = arith.constant 0 : i32
        %dma_start3A_259 = arith.constant 0 : i32
        %dma_start3A_260 = tpu.memref_slice %arg6[%rem3A_240, %dma_start3A_257, %dma_start3A_258, %dma_start3A_259] : memref<3x2x5x80xi32, #tpu.memory_space<vmem>> -> memref<1x2x5x80xi32, #tpu.memory_space<vmem>>
        %dma_start3A_261 = tpu.memref_squeeze %dma_start3A_260 : memref<1x2x5x80xi32, #tpu.memory_space<vmem>> -> memref<2x5x80xi32, #tpu.memory_space<vmem>>
        %dma_start3A_262 = arith.constant 0 : i32
        %dma_start3A_263 = arith.constant 0 : i32
        %dma_start3A_264 = arith.constant 0 : i32
        %dma_start3A_265 = arith.constant 0 : i32
        %dma_start3A_266 = tpu.memref_slice %arg3[%add3A, %dma_start3A_262, %dma_start3A_263, %dma_start3A_264, %dma_start3A_265] : memref<32x25x2x5x80xi32, #tpu.memory_space<hbm>> -> memref<1x25x2x5x80xi32, #tpu.memory_space<hbm>>
        %dma_start3A_267 = tpu.memref_squeeze %dma_start3A_266 : memref<1x25x2x5x80xi32, #tpu.memory_space<hbm>> -> memref<25x2x5x80xi32, #tpu.memory_space<hbm>>
        %dma_start3A_268 = arith.constant 0 : i32
        %dma_start3A_269 = arith.constant 0 : i32
        %dma_start3A_270 = arith.constant 0 : i32
        %dma_start3A_271 = tpu.memref_slice %dma_start3A_267[%add3A_236, %dma_start3A_268, %dma_start3A_269, %dma_start3A_270] : memref<25x2x5x80xi32, #tpu.memory_space<hbm>> -> memref<1x2x5x80xi32, #tpu.memory_space<hbm>>
        %dma_start3A_272 = tpu.memref_squeeze %dma_start3A_271 : memref<1x2x5x80xi32, #tpu.memory_space<hbm>> -> memref<2x5x80xi32, #tpu.memory_space<hbm>>
        tpu.enqueue_dma source(%dma_start3A_272 : memref<2x5x80xi32, #tpu.memory_space<hbm>>) target(%dma_start3A_261 : memref<2x5x80xi32, #tpu.memory_space<vmem>>) target_semaphore(%arg11 : memref<!tpu.dma_semaphore, #tpu.memory_space<semaphore_mem>>)
      } else {
      }
      %dma_start3A_170 = arith.constant 1 : i32
      %dma_start3A_171 = arith.constant 0 : i32
      %dma_start3A_172 = arith.constant 0 : i32
      %dma_start3A_173 = tpu.memref_slice %arg7[%rem3A_148, %dma_start3A_171, %dma_start3A_172] : memref<4x80x128xf32, #tpu.memory_space<vmem>> -> memref<1x80x128xf32, #tpu.memory_space<vmem>>
      %dma_start3A_174 = tpu.memref_squeeze %dma_start3A_173 : memref<1x80x128xf32, #tpu.memory_space<vmem>> -> memref<80x128xf32, #tpu.memory_space<vmem>>
      %dma_start3A_175 = arith.constant 0 : i32
      %dma_start3A_176 = arith.constant 0 : i32
      %dma_start3A_177 = arith.constant 0 : i32
      %dma_start3A_178 = tpu.memref_slice %arg6[%rem3A_146, %dma_start3A_175, %dma_start3A_176, %dma_start3A_177] : memref<3x2x5x80xi32, #tpu.memory_space<vmem>> -> memref<1x2x5x80xi32, #tpu.memory_space<vmem>>
      %dma_start3A_179 = tpu.memref_squeeze %dma_start3A_178 : memref<1x2x5x80xi32, #tpu.memory_space<vmem>> -> memref<2x5x80xi32, #tpu.memory_space<vmem>>
      %dma_start3A_180 = arith.constant 0 : i32
      %dma_start3A_181 = arith.constant 0 : i32
      %dma_start3A_182 = tpu.memref_slice %dma_start3A_179[%dma_start3A_170, %dma_start3A_180, %dma_start3A_181] : memref<2x5x80xi32, #tpu.memory_space<vmem>> -> memref<1x5x80xi32, #tpu.memory_space<vmem>>
      %dma_start3A_183 = tpu.memref_squeeze %dma_start3A_182 : memref<1x5x80xi32, #tpu.memory_space<vmem>> -> memref<5x80xi32, #tpu.memory_space<vmem>>
      %dma_start3A_184 = arith.constant 0 : i32
      %dma_start3A_185 = tpu.memref_slice %dma_start3A_183[%rem3A_144, %dma_start3A_184] : memref<5x80xi32, #tpu.memory_space<vmem>> -> memref<1x80xi32, #tpu.memory_space<vmem>>
      %dma_start3A_186 = tpu.memref_squeeze %dma_start3A_185 : memref<1x80xi32, #tpu.memory_space<vmem>> -> memref<80xi32, #tpu.memory_space<vmem>>
      %dma_start3A_187 = arith.constant 0 : i32
      %dma_start3A_188 = arith.constant 0 : i32
      %dma_start3A_189 = tpu.memref_slice %arg8[%dma_start3A_187, %dma_start3A_188] : memref<10112x128xf32, #tpu.memory_space<vmem_shared>> -> memref<10112x128xf32, #tpu.memory_space<vmem_shared>>
      tpu.enqueue_indirect_dma source(%dma_start3A_174 : memref<80x128xf32, #tpu.memory_space<vmem>>) target(%dma_start3A_189 : memref<10112x128xf32, #tpu.memory_space<vmem_shared>>) offsets(%dma_start3A_186 : memref<80xi32, #tpu.memory_space<vmem>>) semaphore(%arg10 : memref<!tpu.dma_semaphore, #tpu.memory_space<semaphore_mem>>) {add = true}
      %ge3A = arith.constant 2 : i32
      %ge3A_190 = arith.cmpi sge, %scan3A_126, %ge3A : i32
      %convert_element_type3A_191 = arith.extui %ge3A_190 : i1 to i32
      %cond3A_192 = arith.constant 0 : i32
      %cond3A_193 = arith.cmpi ne, %convert_element_type3A_191, %cond3A_192 : i32
      scf.if %cond3A_193 {
        %dma_wait3A_235 = arith.constant 0 : i32
        %dma_wait3A_236 = arith.constant 0 : i32
        %dma_wait3A_237 = arith.constant 0 : i32
        %dma_wait3A_238 = tpu.memref_slice %arg7[%dma_wait3A_235, %dma_wait3A_236, %dma_wait3A_237] : memref<4x80x128xf32, #tpu.memory_space<vmem>> -> memref<1x80x128xf32, #tpu.memory_space<vmem>>
        %dma_wait3A_239 = tpu.memref_squeeze %dma_wait3A_238 : memref<1x80x128xf32, #tpu.memory_space<vmem>> -> memref<80x128xf32, #tpu.memory_space<vmem>>
        %dma_wait3A_240 = arith.constant 0 : i32
        %dma_wait3A_241 = arith.constant 0 : i32
        %dma_wait3A_242 = tpu.memref_slice %arg2[%dma_wait3A_240, %dma_wait3A_241] : memref<10000x128xf32, #tpu.memory_space<hbm>> -> memref<80x128xf32, #tpu.memory_space<hbm>>
        %dma_wait3A_243 = arith.constant 0 : i32
        %dma_wait3A_244 = arith.constant 0 : i32
        %dma_wait3A_245 = tpu.memref_slice %arg7[%dma_wait3A_235, %dma_wait3A_243, %dma_wait3A_244] : memref<4x80x128xf32, #tpu.memory_space<vmem>> -> memref<1x80x128xf32, #tpu.memory_space<vmem>>
        %dma_wait3A_246 = tpu.memref_squeeze %dma_wait3A_245 : memref<1x80x128xf32, #tpu.memory_space<vmem>> -> memref<80x128xf32, #tpu.memory_space<vmem>>
        %dma_wait3A_247 = arith.constant 0 : i32
        %dma_wait3A_248 = arith.constant 0 : i32
        %dma_wait3A_249 = tpu.memref_slice %arg2[%dma_wait3A_247, %dma_wait3A_248] : memref<10000x128xf32, #tpu.memory_space<hbm>> -> memref<80x128xf32, #tpu.memory_space<hbm>>
        tpu.wait_dma2 semaphore(%arg10 : memref<!tpu.dma_semaphore, #tpu.memory_space<semaphore_mem>>) src(%dma_wait3A_249 : memref<80x128xf32, #tpu.memory_space<hbm>>) dst(%dma_wait3A_246 : memref<80x128xf32, #tpu.memory_space<vmem>>)
      } else {
      }
      %add3A_194 = arith.constant 2 : i32
      %add3A_195 = arith.addi %scan3A_126, %add3A_194 : i32
      %jit3A_196 = arith.constant 5 : i32
      %div3A_197 = arith.divsi %add3A_195, %jit3A_196 : i32
      %sign3A_198 = arith.constant 0 : i32
      %sign3A_199 = arith.cmpi sgt, %add3A_195, %sign3A_198 : i32
      %sign3A_200 = arith.extui %sign3A_199 : i1 to i32
      %sign3A_201 = arith.constant 0 : i32
      %sign3A_202 = arith.cmpi slt, %add3A_195, %sign3A_201 : i32
      %sign3A_203 = arith.extui %sign3A_202 : i1 to i32
      %sign3A_204 = arith.subi %sign3A_200, %sign3A_203 : i32
      %sign3A_205 = arith.constant 0 : i32
      %sign3A_206 = arith.cmpi sgt, %jit3A_196, %sign3A_205 : i32
      %sign3A_207 = arith.extui %sign3A_206 : i1 to i32
      %sign3A_208 = arith.constant 0 : i32
      %sign3A_209 = arith.cmpi slt, %jit3A_196, %sign3A_208 : i32
      %sign3A_210 = arith.extui %sign3A_209 : i1 to i32
      %sign3A_211 = arith.subi %sign3A_207, %sign3A_210 : i32
      %ne3A_212 = arith.cmpi ne, %sign3A_204, %sign3A_211 : i32
      %rem3A_213 = arith.remsi %add3A_195, %jit3A_196 : i32
      %ne3A_214 = arith.constant 0 : i32
      %ne3A_215 = arith.cmpi ne, %rem3A_213, %ne3A_214 : i32
      %and3A_216 = arith.andi %ne3A_212, %ne3A_215 : i1
      %sub3A_217 = arith.constant 1 : i32
      %sub3A_218 = arith.subi %div3A_197, %sub3A_217 : i32
      %select_n3A_219 = arith.select %and3A_216, %sub3A_218, %div3A_197 : i32
      %rem3A_220 = arith.constant 5 : i32
      %rem3A_221 = arith.remsi %add3A_195, %rem3A_220 : i32
      %lt3A_222 = arith.constant 125 : i32
      %lt3A_223 = arith.cmpi slt, %add3A_195, %lt3A_222 : i32
      %eq3A_224 = arith.constant 0 : i32
      %eq3A_225 = arith.cmpi eq, %rem3A_221, %eq3A_224 : i32
      %and3A_226 = arith.andi %lt3A_223, %eq3A_225 : i1
      %convert_element_type3A_227 = arith.extui %and3A_226 : i1 to i32
      %cond3A_228 = arith.constant 0 : i32
      %cond3A_229 = arith.cmpi ne, %convert_element_type3A_227, %cond3A_228 : i32
      scf.if %cond3A_229 {
        %dma_wait3A_235 = arith.constant 0 : i32
        %dma_wait3A_236 = arith.constant 0 : i32
        %dma_wait3A_237 = arith.constant 0 : i32
        %dma_wait3A_238 = arith.constant 0 : i32
        %dma_wait3A_239 = arith.constant 0 : i32
        %dma_wait3A_240 = arith.constant 0 : i32
        %dma_wait3A_241 = tpu.memref_slice %arg6[%dma_wait3A_237, %dma_wait3A_238, %dma_wait3A_239, %dma_wait3A_240] : memref<3x2x5x80xi32, #tpu.memory_space<vmem>> -> memref<1x2x5x80xi32, #tpu.memory_space<vmem>>
        %dma_wait3A_242 = tpu.memref_squeeze %dma_wait3A_241 : memref<1x2x5x80xi32, #tpu.memory_space<vmem>> -> memref<2x5x80xi32, #tpu.memory_space<vmem>>
        %dma_wait3A_243 = arith.constant 0 : i32
        %dma_wait3A_244 = arith.constant 0 : i32
        %dma_wait3A_245 = arith.constant 0 : i32
        %dma_wait3A_246 = arith.constant 0 : i32
        %dma_wait3A_247 = tpu.memref_slice %arg3[%dma_wait3A_235, %dma_wait3A_243, %dma_wait3A_244, %dma_wait3A_245, %dma_wait3A_246] : memref<32x25x2x5x80xi32, #tpu.memory_space<hbm>> -> memref<1x25x2x5x80xi32, #tpu.memory_space<hbm>>
        %dma_wait3A_248 = tpu.memref_squeeze %dma_wait3A_247 : memref<1x25x2x5x80xi32, #tpu.memory_space<hbm>> -> memref<25x2x5x80xi32, #tpu.memory_space<hbm>>
        %dma_wait3A_249 = arith.constant 0 : i32
        %dma_wait3A_250 = arith.constant 0 : i32
        %dma_wait3A_251 = arith.constant 0 : i32
        %dma_wait3A_252 = tpu.memref_slice %dma_wait3A_248[%dma_wait3A_236, %dma_wait3A_249, %dma_wait3A_250, %dma_wait3A_251] : memref<25x2x5x80xi32, #tpu.memory_space<hbm>> -> memref<1x2x5x80xi32, #tpu.memory_space<hbm>>
        %dma_wait3A_253 = tpu.memref_squeeze %dma_wait3A_252 : memref<1x2x5x80xi32, #tpu.memory_space<hbm>> -> memref<2x5x80xi32, #tpu.memory_space<hbm>>
        %dma_wait3A_254 = arith.constant 0 : i32
        %dma_wait3A_255 = arith.constant 0 : i32
        %dma_wait3A_256 = arith.constant 0 : i32
        %dma_wait3A_257 = tpu.memref_slice %arg6[%dma_wait3A_237, %dma_wait3A_254, %dma_wait3A_255, %dma_wait3A_256] : memref<3x2x5x80xi32, #tpu.memory_space<vmem>> -> memref<1x2x5x80xi32, #tpu.memory_space<vmem>>
        %dma_wait3A_258 = tpu.memref_squeeze %dma_wait3A_257 : memref<1x2x5x80xi32, #tpu.memory_space<vmem>> -> memref<2x5x80xi32, #tpu.memory_space<vmem>>
        %dma_wait3A_259 = arith.constant 0 : i32
        %dma_wait3A_260 = arith.constant 0 : i32
        %dma_wait3A_261 = arith.constant 0 : i32
        %dma_wait3A_262 = arith.constant 0 : i32
        %dma_wait3A_263 = tpu.memref_slice %arg3[%dma_wait3A_235, %dma_wait3A_259, %dma_wait3A_260, %dma_wait3A_261, %dma_wait3A_262] : memref<32x25x2x5x80xi32, #tpu.memory_space<hbm>> -> memref<1x25x2x5x80xi32, #tpu.memory_space<hbm>>
        %dma_wait3A_264 = tpu.memref_squeeze %dma_wait3A_263 : memref<1x25x2x5x80xi32, #tpu.memory_space<hbm>> -> memref<25x2x5x80xi32, #tpu.memory_space<hbm>>
        %dma_wait3A_265 = arith.constant 0 : i32
        %dma_wait3A_266 = arith.constant 0 : i32
        %dma_wait3A_267 = arith.constant 0 : i32
        %dma_wait3A_268 = tpu.memref_slice %dma_wait3A_264[%dma_wait3A_236, %dma_wait3A_265, %dma_wait3A_266, %dma_wait3A_267] : memref<25x2x5x80xi32, #tpu.memory_space<hbm>> -> memref<1x2x5x80xi32, #tpu.memory_space<hbm>>
        %dma_wait3A_269 = tpu.memref_squeeze %dma_wait3A_268 : memref<1x2x5x80xi32, #tpu.memory_space<hbm>> -> memref<2x5x80xi32, #tpu.memory_space<hbm>>
        tpu.wait_dma2 semaphore(%arg11 : memref<!tpu.dma_semaphore, #tpu.memory_space<semaphore_mem>>) src(%dma_wait3A_269 : memref<2x5x80xi32, #tpu.memory_space<hbm>>) dst(%dma_wait3A_258 : memref<2x5x80xi32, #tpu.memory_space<vmem>>)
      } else {
      }
      %lt3A_230 = arith.constant 125 : i32
      %lt3A_231 = arith.cmpi slt, %add3A_195, %lt3A_230 : i32
      %convert_element_type3A_232 = arith.extui %lt3A_231 : i1 to i32
      %cond3A_233 = arith.constant 0 : i32
      %cond3A_234 = arith.cmpi ne, %convert_element_type3A_232, %cond3A_233 : i32
      scf.if %cond3A_234 {
        %rem3A_235 = arith.constant 3 : i32
        %rem3A_236 = arith.remsi %select_n3A_219, %rem3A_235 : i32
        %rem3A_237 = arith.constant 4 : i32
        %rem3A_238 = arith.remsi %add3A_195, %rem3A_237 : i32
        %dma_start3A_239 = arith.constant 0 : i32
        %dma_start3A_240 = arith.constant 0 : i32
        %dma_start3A_241 = arith.constant 0 : i32
        %dma_start3A_242 = tpu.memref_slice %arg7[%rem3A_238, %dma_start3A_240, %dma_start3A_241] : memref<4x80x128xf32, #tpu.memory_space<vmem>> -> memref<1x80x128xf32, #tpu.memory_space<vmem>>
        %dma_start3A_243 = tpu.memref_squeeze %dma_start3A_242 : memref<1x80x128xf32, #tpu.memory_space<vmem>> -> memref<80x128xf32, #tpu.memory_space<vmem>>
        %dma_start3A_244 = arith.constant 0 : i32
        %dma_start3A_245 = arith.constant 0 : i32
        %dma_start3A_246 = arith.constant 0 : i32
        %dma_start3A_247 = tpu.memref_slice %arg6[%rem3A_236, %dma_start3A_244, %dma_start3A_245, %dma_start3A_246] : memref<3x2x5x80xi32, #tpu.memory_space<vmem>> -> memref<1x2x5x80xi32, #tpu.memory_space<vmem>>
        %dma_start3A_248 = tpu.memref_squeeze %dma_start3A_247 : memref<1x2x5x80xi32, #tpu.memory_space<vmem>> -> memref<2x5x80xi32, #tpu.memory_space<vmem>>
        %dma_start3A_249 = arith.constant 0 : i32
        %dma_start3A_250 = arith.constant 0 : i32
        %dma_start3A_251 = tpu.memref_slice %dma_start3A_248[%dma_start3A_239, %dma_start3A_249, %dma_start3A_250] : memref<2x5x80xi32, #tpu.memory_space<vmem>> -> memref<1x5x80xi32, #tpu.memory_space<vmem>>
        %dma_start3A_252 = tpu.memref_squeeze %dma_start3A_251 : memref<1x5x80xi32, #tpu.memory_space<vmem>> -> memref<5x80xi32, #tpu.memory_space<vmem>>
        %dma_start3A_253 = arith.constant 0 : i32
        %dma_start3A_254 = tpu.memref_slice %dma_start3A_252[%rem3A_221, %dma_start3A_253] : memref<5x80xi32, #tpu.memory_space<vmem>> -> memref<1x80xi32, #tpu.memory_space<vmem>>
        %dma_start3A_255 = tpu.memref_squeeze %dma_start3A_254 : memref<1x80xi32, #tpu.memory_space<vmem>> -> memref<80xi32, #tpu.memory_space<vmem>>
        %dma_start3A_256 = arith.constant 0 : i32
        %dma_start3A_257 = arith.constant 0 : i32
        %dma_start3A_258 = tpu.memref_slice %arg2[%dma_start3A_256, %dma_start3A_257] : memref<10000x128xf32, #tpu.memory_space<hbm>> -> memref<10000x128xf32, #tpu.memory_space<hbm>>
        tpu.enqueue_indirect_dma source(%dma_start3A_258 : memref<10000x128xf32, #tpu.memory_space<hbm>>) target(%dma_start3A_243 : memref<80x128xf32, #tpu.memory_space<vmem>>) offsets(%dma_start3A_255 : memref<80xi32, #tpu.memory_space<vmem>>) semaphore(%arg9 : memref<!tpu.dma_semaphore, #tpu.memory_space<semaphore_mem>>)
      } else {
      }
    }
    %scan3A_90 = arith.constant 125 : i32
    %dma_wait3A_91 = arith.constant 0 : i32
    %dma_wait3A_92 = arith.constant 0 : i32
    %dma_wait3A_93 = arith.constant 0 : i32
    %dma_wait3A_94 = tpu.memref_slice %arg7[%dma_wait3A_91, %dma_wait3A_92, %dma_wait3A_93] : memref<4x80x128xf32, #tpu.memory_space<vmem>> -> memref<1x80x128xf32, #tpu.memory_space<vmem>>
    %dma_wait3A_95 = tpu.memref_squeeze %dma_wait3A_94 : memref<1x80x128xf32, #tpu.memory_space<vmem>> -> memref<80x128xf32, #tpu.memory_space<vmem>>
    %dma_wait3A_96 = arith.constant 0 : i32
    %dma_wait3A_97 = arith.constant 0 : i32
    %dma_wait3A_98 = tpu.memref_slice %arg2[%dma_wait3A_96, %dma_wait3A_97] : memref<10000x128xf32, #tpu.memory_space<hbm>> -> memref<80x128xf32, #tpu.memory_space<hbm>>
    %dma_wait3A_99 = arith.constant 0 : i32
    %dma_wait3A_100 = arith.constant 0 : i32
    %dma_wait3A_101 = tpu.memref_slice %arg7[%dma_wait3A_91, %dma_wait3A_99, %dma_wait3A_100] : memref<4x80x128xf32, #tpu.memory_space<vmem>> -> memref<1x80x128xf32, #tpu.memory_space<vmem>>
    %dma_wait3A_102 = tpu.memref_squeeze %dma_wait3A_101 : memref<1x80x128xf32, #tpu.memory_space<vmem>> -> memref<80x128xf32, #tpu.memory_space<vmem>>
    %dma_wait3A_103 = arith.constant 0 : i32
    %dma_wait3A_104 = arith.constant 0 : i32
    %dma_wait3A_105 = tpu.memref_slice %arg2[%dma_wait3A_103, %dma_wait3A_104] : memref<10000x128xf32, #tpu.memory_space<hbm>> -> memref<80x128xf32, #tpu.memory_space<hbm>>
    tpu.wait_dma2 semaphore(%arg10 : memref<!tpu.dma_semaphore, #tpu.memory_space<semaphore_mem>>) src(%dma_wait3A_105 : memref<80x128xf32, #tpu.memory_space<hbm>>) dst(%dma_wait3A_102 : memref<80x128xf32, #tpu.memory_space<vmem>>)
    %dma_wait3A_106 = arith.constant 0 : i32
    %dma_wait3A_107 = arith.constant 0 : i32
    %dma_wait3A_108 = arith.constant 0 : i32
    %dma_wait3A_109 = tpu.memref_slice %arg7[%dma_wait3A_106, %dma_wait3A_107, %dma_wait3A_108] : memref<4x80x128xf32, #tpu.memory_space<vmem>> -> memref<1x80x128xf32, #tpu.memory_space<vmem>>
    %dma_wait3A_110 = tpu.memref_squeeze %dma_wait3A_109 : memref<1x80x128xf32, #tpu.memory_space<vmem>> -> memref<80x128xf32, #tpu.memory_space<vmem>>
    %dma_wait3A_111 = arith.constant 0 : i32
    %dma_wait3A_112 = arith.constant 0 : i32
    %dma_wait3A_113 = tpu.memref_slice %arg2[%dma_wait3A_111, %dma_wait3A_112] : memref<10000x128xf32, #tpu.memory_space<hbm>> -> memref<80x128xf32, #tpu.memory_space<hbm>>
    %dma_wait3A_114 = arith.constant 0 : i32
    %dma_wait3A_115 = arith.constant 0 : i32
    %dma_wait3A_116 = tpu.memref_slice %arg7[%dma_wait3A_106, %dma_wait3A_114, %dma_wait3A_115] : memref<4x80x128xf32, #tpu.memory_space<vmem>> -> memref<1x80x128xf32, #tpu.memory_space<vmem>>
    %dma_wait3A_117 = tpu.memref_squeeze %dma_wait3A_116 : memref<1x80x128xf32, #tpu.memory_space<vmem>> -> memref<80x128xf32, #tpu.memory_space<vmem>>
    %dma_wait3A_118 = arith.constant 0 : i32
    %dma_wait3A_119 = arith.constant 0 : i32
    %dma_wait3A_120 = tpu.memref_slice %arg2[%dma_wait3A_118, %dma_wait3A_119] : memref<10000x128xf32, #tpu.memory_space<hbm>> -> memref<80x128xf32, #tpu.memory_space<hbm>>
    tpu.wait_dma2 semaphore(%arg10 : memref<!tpu.dma_semaphore, #tpu.memory_space<semaphore_mem>>) src(%dma_wait3A_120 : memref<80x128xf32, #tpu.memory_space<hbm>>) dst(%dma_wait3A_117 : memref<80x128xf32, #tpu.memory_space<vmem>>)
    %barrier3A_121 = arith.constant 0 : index
    tpu.barrier barrier_id(%barrier3A_121)
    %mul3A_122 = arith.constant 632 : i32
    %mul3A_123 = arith.muli %arg1, %mul3A_122 : i32
    %mul3A_124 = arith.constant 632 : i32
    %mul3A_125 = arith.muli %arg1, %mul3A_124 : i32
    "tpu.region"() ({
      %run_scoped3A_126 = tpu.sem_alloc : memref<!tpu.dma_semaphore, #tpu.memory_space<semaphore_mem>>
      %dma_start3A_127 = arith.constant 0 : i32
      %dma_start3A_128 = arith.constant 0 : i32
      %dma_start3A_129 = tpu.memref_slice %arg5[%arg0, %dma_start3A_127, %dma_start3A_128] : memref<2x10112x128xf32, #tpu.memory_space<hbm>> -> memref<1x10112x128xf32, #tpu.memory_space<hbm>>
      %dma_start3A_130 = tpu.memref_squeeze %dma_start3A_129 : memref<1x10112x128xf32, #tpu.memory_space<hbm>> -> memref<10112x128xf32, #tpu.memory_space<hbm>>
      %dma_start3A_131 = arith.constant 0 : i32
      %dma_start3A_132 = tpu.memref_slice %dma_start3A_130[%mul3A_125, %dma_start3A_131] : memref<10112x128xf32, #tpu.memory_space<hbm>> -> memref<632x128xf32, #tpu.memory_space<hbm>>
      %dma_start3A_133 = arith.constant 0 : i32
      %dma_start3A_134 = tpu.memref_slice %arg8[%mul3A_123, %dma_start3A_133] : memref<10112x128xf32, #tpu.memory_space<vmem_shared>> -> memref<632x128xf32, #tpu.memory_space<vmem_shared>>
      tpu.enqueue_dma source(%dma_start3A_134 : memref<632x128xf32, #tpu.memory_space<vmem_shared>>) target(%dma_start3A_132 : memref<632x128xf32, #tpu.memory_space<hbm>>) target_semaphore(%run_scoped3A_126 : memref<!tpu.dma_semaphore, #tpu.memory_space<semaphore_mem>>)
      %dma_wait3A_135 = arith.constant 0 : i32
      %dma_wait3A_136 = arith.constant 0 : i32
      %dma_wait3A_137 = tpu.memref_slice %arg5[%arg0, %dma_wait3A_135, %dma_wait3A_136] : memref<2x10112x128xf32, #tpu.memory_space<hbm>> -> memref<1x10112x128xf32, #tpu.memory_space<hbm>>
      %dma_wait3A_138 = tpu.memref_squeeze %dma_wait3A_137 : memref<1x10112x128xf32, #tpu.memory_space<hbm>> -> memref<10112x128xf32, #tpu.memory_space<hbm>>
      %dma_wait3A_139 = arith.constant 0 : i32
      %dma_wait3A_140 = tpu.memref_slice %dma_wait3A_138[%mul3A_125, %dma_wait3A_139] : memref<10112x128xf32, #tpu.memory_space<hbm>> -> memref<632x128xf32, #tpu.memory_space<hbm>>
      %dma_wait3A_141 = arith.constant 0 : i32
      %dma_wait3A_142 = tpu.memref_slice %arg8[%mul3A_123, %dma_wait3A_141] : memref<10112x128xf32, #tpu.memory_space<vmem_shared>> -> memref<632x128xf32, #tpu.memory_space<vmem_shared>>
      tpu.wait_dma2 semaphore(%run_scoped3A_126 : memref<!tpu.dma_semaphore, #tpu.memory_space<semaphore_mem>>) src(%dma_wait3A_142 : memref<632x128xf32, #tpu.memory_space<vmem_shared>>) dst(%dma_wait3A_140 : memref<632x128xf32, #tpu.memory_space<hbm>>)
      tpu.yield
    }) : () -> ()
    return
  }
}

#map = affine_map<(d0, d1) -> (0, 0, 0, 0, 0)>
#map1 = affine_map<(d0, d1) -> (0)>
#map2 = affine_map<(d0, d1) -> (0, 0)>
module attributes {stable_mosaic.version = 14 : i64} {
  func.func @_deg_body(%arg0: i32, %arg1: i32, %arg2: memref<32x25x2x5x80xi32, #tpu.memory_space<hbm>>, %arg3: memref<640xf32, #tpu.memory_space<hbm>>, %arg4: memref<2x10240xf32, #tpu.memory_space<hbm>>, %arg5: memref<25x2x5x80xi32, #tpu.memory_space<vmem>>, %arg6: memref<128xf32, #tpu.memory_space<vmem>>, %arg7: memref<10240xf32, #tpu.memory_space<vmem_shared>>, %arg8: memref<!tpu.dma_semaphore, #tpu.memory_space<semaphore_mem>>) attributes {dimension_semantics = [#tpu.dimension_semantics<core_parallel>, #tpu.dimension_semantics<subcore_parallel>], iteration_bounds = array<i64: 2, 16>, scalar_prefetch = 0 : i64, scratch_operands = 4 : i64, tpu.core_type = #tpu.core_type<sc_vector_subcore>, window_params = [{transform_indices = #map}, {transform_indices = #map1}, {transform_indices = #map2}]} {
    %mul3A = arith.constant 2 : i32
    %mul3A_0 = arith.muli %arg1, %mul3A : i32
    %add3A = arith.addi %mul3A_0, %arg0 : i32
    %mul3A_1 = arith.constant 640 : i32
    %mul3A_2 = arith.muli %arg1, %mul3A_1 : i32
    "tpu.region"() ({
      %run_scoped3A = tpu.sem_alloc : memref<!tpu.dma_semaphore, #tpu.memory_space<semaphore_mem>>
      %dma_start3A = tpu.memref_slice %arg7[%mul3A_2] : memref<10240xf32, #tpu.memory_space<vmem_shared>> -> memref<640xf32, #tpu.memory_space<vmem_shared>>
      tpu.enqueue_dma source(%arg3 : memref<640xf32, #tpu.memory_space<hbm>>) target(%dma_start3A : memref<640xf32, #tpu.memory_space<vmem_shared>>) target_semaphore(%run_scoped3A : memref<!tpu.dma_semaphore, #tpu.memory_space<semaphore_mem>>)
      %dma_wait3A = tpu.memref_slice %arg7[%mul3A_2] : memref<10240xf32, #tpu.memory_space<vmem_shared>> -> memref<640xf32, #tpu.memory_space<vmem_shared>>
      tpu.wait_dma2 semaphore(%run_scoped3A : memref<!tpu.dma_semaphore, #tpu.memory_space<semaphore_mem>>) src(%arg3 : memref<640xf32, #tpu.memory_space<hbm>>) dst(%dma_wait3A : memref<640xf32, #tpu.memory_space<vmem_shared>>)
      tpu.yield
    }) : () -> ()
    "tpu.region"() ({
      %run_scoped3A = tpu.sem_alloc : memref<!tpu.dma_semaphore, #tpu.memory_space<semaphore_mem>>
      %dma_start3A = arith.constant 0 : i32
      %dma_start3A_51 = arith.constant 0 : i32
      %dma_start3A_52 = arith.constant 0 : i32
      %dma_start3A_53 = arith.constant 0 : i32
      %dma_start3A_54 = tpu.memref_slice %arg2[%add3A, %dma_start3A, %dma_start3A_51, %dma_start3A_52, %dma_start3A_53] : memref<32x25x2x5x80xi32, #tpu.memory_space<hbm>> -> memref<1x25x2x5x80xi32, #tpu.memory_space<hbm>>
      %dma_start3A_55 = tpu.memref_squeeze %dma_start3A_54 : memref<1x25x2x5x80xi32, #tpu.memory_space<hbm>> -> memref<25x2x5x80xi32, #tpu.memory_space<hbm>>
      %dma_start3A_56 = arith.constant 0 : i32
      %dma_start3A_57 = arith.constant 0 : i32
      %dma_start3A_58 = arith.constant 0 : i32
      %dma_start3A_59 = arith.constant 0 : i32
      %dma_start3A_60 = tpu.memref_slice %arg2[%add3A, %dma_start3A_56, %dma_start3A_57, %dma_start3A_58, %dma_start3A_59] : memref<32x25x2x5x80xi32, #tpu.memory_space<hbm>> -> memref<1x25x2x5x80xi32, #tpu.memory_space<hbm>>
      %dma_start3A_61 = tpu.memref_squeeze %dma_start3A_60 : memref<1x25x2x5x80xi32, #tpu.memory_space<hbm>> -> memref<25x2x5x80xi32, #tpu.memory_space<hbm>>
      tpu.enqueue_dma source(%dma_start3A_61 : memref<25x2x5x80xi32, #tpu.memory_space<hbm>>) target(%arg5 : memref<25x2x5x80xi32, #tpu.memory_space<vmem>>) target_semaphore(%run_scoped3A : memref<!tpu.dma_semaphore, #tpu.memory_space<semaphore_mem>>)
      %dma_wait3A = arith.constant 0 : i32
      %dma_wait3A_62 = arith.constant 0 : i32
      %dma_wait3A_63 = arith.constant 0 : i32
      %dma_wait3A_64 = arith.constant 0 : i32
      %dma_wait3A_65 = tpu.memref_slice %arg2[%add3A, %dma_wait3A, %dma_wait3A_62, %dma_wait3A_63, %dma_wait3A_64] : memref<32x25x2x5x80xi32, #tpu.memory_space<hbm>> -> memref<1x25x2x5x80xi32, #tpu.memory_space<hbm>>
      %dma_wait3A_66 = tpu.memref_squeeze %dma_wait3A_65 : memref<1x25x2x5x80xi32, #tpu.memory_space<hbm>> -> memref<25x2x5x80xi32, #tpu.memory_space<hbm>>
      %dma_wait3A_67 = arith.constant 0 : i32
      %dma_wait3A_68 = arith.constant 0 : i32
      %dma_wait3A_69 = arith.constant 0 : i32
      %dma_wait3A_70 = arith.constant 0 : i32
      %dma_wait3A_71 = tpu.memref_slice %arg2[%add3A, %dma_wait3A_67, %dma_wait3A_68, %dma_wait3A_69, %dma_wait3A_70] : memref<32x25x2x5x80xi32, #tpu.memory_space<hbm>> -> memref<1x25x2x5x80xi32, #tpu.memory_space<hbm>>
      %dma_wait3A_72 = tpu.memref_squeeze %dma_wait3A_71 : memref<1x25x2x5x80xi32, #tpu.memory_space<hbm>> -> memref<25x2x5x80xi32, #tpu.memory_space<hbm>>
      tpu.wait_dma2 semaphore(%run_scoped3A : memref<!tpu.dma_semaphore, #tpu.memory_space<semaphore_mem>>) src(%dma_wait3A_72 : memref<25x2x5x80xi32, #tpu.memory_space<hbm>>) dst(%arg5 : memref<25x2x5x80xi32, #tpu.memory_space<vmem>>)
      tpu.yield
    }) : () -> ()
    %broadcast_in_dim3A = arith.constant 1.000000e+00 : f32
    %broadcast_in_dim3A_3 = vector.broadcast %broadcast_in_dim3A : f32 to vector<16xf32>
    %swap3A = arith.constant 0 : index
    %swap3A_4 = tpu.vector_load %arg6[%swap3A] {strides = array<i32>} : memref<128xf32, #tpu.memory_space<vmem>>, vector<16xf32>,
    %swap3A_5 = vector.shape_cast %swap3A_4 : vector<16xf32> to vector<16xf32>
    %swap3A_6 = vector.shape_cast %broadcast_in_dim3A_3 : vector<16xf32> to vector<16xf32>
    tpu.vector_store %arg6[%swap3A], %swap3A_6 {strides = array<i32>} : memref<128xf32, #tpu.memory_space<vmem>>, vector<16xf32>,
    %swap3A_7 = arith.constant 16 : index
    %swap3A_8 = tpu.vector_load %arg6[%swap3A_7] {strides = array<i32>} : memref<128xf32, #tpu.memory_space<vmem>>, vector<16xf32>,
    %swap3A_9 = vector.shape_cast %swap3A_8 : vector<16xf32> to vector<16xf32>
    %swap3A_10 = vector.shape_cast %broadcast_in_dim3A_3 : vector<16xf32> to vector<16xf32>
    tpu.vector_store %arg6[%swap3A_7], %swap3A_10 {strides = array<i32>} : memref<128xf32, #tpu.memory_space<vmem>>, vector<16xf32>,
    %swap3A_11 = arith.constant 32 : index
    %swap3A_12 = tpu.vector_load %arg6[%swap3A_11] {strides = array<i32>} : memref<128xf32, #tpu.memory_space<vmem>>, vector<16xf32>,
    %swap3A_13 = vector.shape_cast %swap3A_12 : vector<16xf32> to vector<16xf32>
    %swap3A_14 = vector.shape_cast %broadcast_in_dim3A_3 : vector<16xf32> to vector<16xf32>
    tpu.vector_store %arg6[%swap3A_11], %swap3A_14 {strides = array<i32>} : memref<128xf32, #tpu.memory_space<vmem>>, vector<16xf32>,
    %swap3A_15 = arith.constant 48 : index
    %swap3A_16 = tpu.vector_load %arg6[%swap3A_15] {strides = array<i32>} : memref<128xf32, #tpu.memory_space<vmem>>, vector<16xf32>,
    %swap3A_17 = vector.shape_cast %swap3A_16 : vector<16xf32> to vector<16xf32>
    %swap3A_18 = vector.shape_cast %broadcast_in_dim3A_3 : vector<16xf32> to vector<16xf32>
    tpu.vector_store %arg6[%swap3A_15], %swap3A_18 {strides = array<i32>} : memref<128xf32, #tpu.memory_space<vmem>>, vector<16xf32>,
    %swap3A_19 = arith.constant 64 : index
    %swap3A_20 = tpu.vector_load %arg6[%swap3A_19] {strides = array<i32>} : memref<128xf32, #tpu.memory_space<vmem>>, vector<16xf32>,
    %swap3A_21 = vector.shape_cast %swap3A_20 : vector<16xf32> to vector<16xf32>
    %swap3A_22 = vector.shape_cast %broadcast_in_dim3A_3 : vector<16xf32> to vector<16xf32>
    tpu.vector_store %arg6[%swap3A_19], %swap3A_22 {strides = array<i32>} : memref<128xf32, #tpu.memory_space<vmem>>, vector<16xf32>,
    %swap3A_23 = arith.constant 80 : index
    %swap3A_24 = tpu.vector_load %arg6[%swap3A_23] {strides = array<i32>} : memref<128xf32, #tpu.memory_space<vmem>>, vector<16xf32>,
    %swap3A_25 = vector.shape_cast %swap3A_24 : vector<16xf32> to vector<16xf32>
    %swap3A_26 = vector.shape_cast %broadcast_in_dim3A_3 : vector<16xf32> to vector<16xf32>
    tpu.vector_store %arg6[%swap3A_23], %swap3A_26 {strides = array<i32>} : memref<128xf32, #tpu.memory_space<vmem>>, vector<16xf32>,
    %swap3A_27 = arith.constant 96 : index
    %swap3A_28 = tpu.vector_load %arg6[%swap3A_27] {strides = array<i32>} : memref<128xf32, #tpu.memory_space<vmem>>, vector<16xf32>,
    %swap3A_29 = vector.shape_cast %swap3A_28 : vector<16xf32> to vector<16xf32>
    %swap3A_30 = vector.shape_cast %broadcast_in_dim3A_3 : vector<16xf32> to vector<16xf32>
    tpu.vector_store %arg6[%swap3A_27], %swap3A_30 {strides = array<i32>} : memref<128xf32, #tpu.memory_space<vmem>>, vector<16xf32>,
    %swap3A_31 = arith.constant 112 : index
    %swap3A_32 = tpu.vector_load %arg6[%swap3A_31] {strides = array<i32>} : memref<128xf32, #tpu.memory_space<vmem>>, vector<16xf32>,
    %swap3A_33 = vector.shape_cast %swap3A_32 : vector<16xf32> to vector<16xf32>
    %swap3A_34 = vector.shape_cast %broadcast_in_dim3A_3 : vector<16xf32> to vector<16xf32>
    tpu.vector_store %arg6[%swap3A_31], %swap3A_34 {strides = array<i32>} : memref<128xf32, #tpu.memory_space<vmem>>, vector<16xf32>,
    %barrier3A = arith.constant 0 : index
    tpu.barrier barrier_id(%barrier3A)
    %scan3A = arith.constant 0 : i32
    %scan3A_35 = arith.constant 0 : i32
    %scan3A_36 = arith.constant 125 : i32
    %scan3A_37 = arith.addi %scan3A_35, %scan3A_36 : i32
    %scan3A_38 = arith.constant 1 : i32
    scf.for %scan3A_51 = %scan3A_35 to %scan3A_37 step %scan3A_38  : i32 {
      %jit3A = arith.constant 5 : i32
      %div3A = arith.divsi %scan3A_51, %jit3A : i32
      %sign3A = arith.constant 0 : i32
      %sign3A_52 = arith.cmpi sgt, %scan3A_51, %sign3A : i32
      %sign3A_53 = arith.extui %sign3A_52 : i1 to i32
      %sign3A_54 = arith.constant 0 : i32
      %sign3A_55 = arith.cmpi slt, %scan3A_51, %sign3A_54 : i32
      %sign3A_56 = arith.extui %sign3A_55 : i1 to i32
      %sign3A_57 = arith.subi %sign3A_53, %sign3A_56 : i32
      %sign3A_58 = arith.constant 0 : i32
      %sign3A_59 = arith.cmpi sgt, %jit3A, %sign3A_58 : i32
      %sign3A_60 = arith.extui %sign3A_59 : i1 to i32
      %sign3A_61 = arith.constant 0 : i32
      %sign3A_62 = arith.cmpi slt, %jit3A, %sign3A_61 : i32
      %sign3A_63 = arith.extui %sign3A_62 : i1 to i32
      %sign3A_64 = arith.subi %sign3A_60, %sign3A_63 : i32
      %ne3A = arith.cmpi ne, %sign3A_57, %sign3A_64 : i32
      %rem3A = arith.remsi %scan3A_51, %jit3A : i32
      %ne3A_65 = arith.constant 0 : i32
      %ne3A_66 = arith.cmpi ne, %rem3A, %ne3A_65 : i32
      %and3A = arith.andi %ne3A, %ne3A_66 : i1
      %sub3A = arith.constant 1 : i32
      %sub3A_67 = arith.subi %div3A, %sub3A : i32
      %select_n3A = arith.select %and3A, %sub3A_67, %div3A : i32
      %rem3A_68 = arith.constant 5 : i32
      %rem3A_69 = arith.remsi %scan3A_51, %rem3A_68 : i32
      %dma_start3A = arith.constant 1 : i32
      %dma_start3A_70 = arith.constant 0 : i32
      %dma_start3A_71 = tpu.memref_slice %arg6[%dma_start3A_70] : memref<128xf32, #tpu.memory_space<vmem>> -> memref<80xf32, #tpu.memory_space<vmem>>
      %dma_start3A_72 = arith.constant 0 : i32
      %dma_start3A_73 = arith.constant 0 : i32
      %dma_start3A_74 = arith.constant 0 : i32
      %dma_start3A_75 = tpu.memref_slice %arg5[%select_n3A, %dma_start3A_72, %dma_start3A_73, %dma_start3A_74] : memref<25x2x5x80xi32, #tpu.memory_space<vmem>> -> memref<1x2x5x80xi32, #tpu.memory_space<vmem>>
      %dma_start3A_76 = tpu.memref_squeeze %dma_start3A_75 : memref<1x2x5x80xi32, #tpu.memory_space<vmem>> -> memref<2x5x80xi32, #tpu.memory_space<vmem>>
      %dma_start3A_77 = arith.constant 0 : i32
      %dma_start3A_78 = arith.constant 0 : i32
      %dma_start3A_79 = tpu.memref_slice %dma_start3A_76[%dma_start3A, %dma_start3A_77, %dma_start3A_78] : memref<2x5x80xi32, #tpu.memory_space<vmem>> -> memref<1x5x80xi32, #tpu.memory_space<vmem>>
      %dma_start3A_80 = tpu.memref_squeeze %dma_start3A_79 : memref<1x5x80xi32, #tpu.memory_space<vmem>> -> memref<5x80xi32, #tpu.memory_space<vmem>>
      %dma_start3A_81 = arith.constant 0 : i32
      %dma_start3A_82 = tpu.memref_slice %dma_start3A_80[%rem3A_69, %dma_start3A_81] : memref<5x80xi32, #tpu.memory_space<vmem>> -> memref<1x80xi32, #tpu.memory_space<vmem>>
      %dma_start3A_83 = tpu.memref_squeeze %dma_start3A_82 : memref<1x80xi32, #tpu.memory_space<vmem>> -> memref<80xi32, #tpu.memory_space<vmem>>
      %dma_start3A_84 = arith.constant 0 : i32
      %dma_start3A_85 = tpu.memref_slice %arg7[%dma_start3A_84] : memref<10240xf32, #tpu.memory_space<vmem_shared>> -> memref<10240xf32, #tpu.memory_space<vmem_shared>>
      tpu.enqueue_indirect_dma source(%dma_start3A_71 : memref<80xf32, #tpu.memory_space<vmem>>) target(%dma_start3A_85 : memref<10240xf32, #tpu.memory_space<vmem_shared>>) offsets(%dma_start3A_83 : memref<80xi32, #tpu.memory_space<vmem>>) semaphore(%arg8 : memref<!tpu.dma_semaphore, #tpu.memory_space<semaphore_mem>>) {add = true}
    }
    %scan3A_39 = arith.constant 125 : i32
    %scan3A_40 = arith.constant 0 : i32
    %scan3A_41 = arith.constant 0 : i32
    %scan3A_42 = arith.constant 125 : i32
    %scan3A_43 = arith.addi %scan3A_41, %scan3A_42 : i32
    %scan3A_44 = arith.constant 1 : i32
    scf.for %scan3A_51 = %scan3A_41 to %scan3A_43 step %scan3A_44  : i32 {
      %dma_wait3A = arith.constant 0 : i32
      %dma_wait3A_52 = tpu.memref_slice %arg6[%dma_wait3A] : memref<128xf32, #tpu.memory_space<vmem>> -> memref<80xf32, #tpu.memory_space<vmem>>
      %dma_wait3A_53 = arith.constant 0 : i32
      %dma_wait3A_54 = tpu.memref_slice %arg3[%dma_wait3A_53] : memref<640xf32, #tpu.memory_space<hbm>> -> memref<80xf32, #tpu.memory_space<hbm>>
      %dma_wait3A_55 = arith.constant 0 : i32
      %dma_wait3A_56 = tpu.memref_slice %arg6[%dma_wait3A_55] : memref<128xf32, #tpu.memory_space<vmem>> -> memref<80xf32, #tpu.memory_space<vmem>>
      %dma_wait3A_57 = arith.constant 0 : i32
      %dma_wait3A_58 = tpu.memref_slice %arg3[%dma_wait3A_57] : memref<640xf32, #tpu.memory_space<hbm>> -> memref<80xf32, #tpu.memory_space<hbm>>
      tpu.wait_dma2 semaphore(%arg8 : memref<!tpu.dma_semaphore, #tpu.memory_space<semaphore_mem>>) src(%dma_wait3A_58 : memref<80xf32, #tpu.memory_space<hbm>>) dst(%dma_wait3A_56 : memref<80xf32, #tpu.memory_space<vmem>>)
    }
    %scan3A_45 = arith.constant 125 : i32
    %barrier3A_46 = arith.constant 0 : index
    tpu.barrier barrier_id(%barrier3A_46)
    %mul3A_47 = arith.constant 640 : i32
    %mul3A_48 = arith.muli %arg1, %mul3A_47 : i32
    %mul3A_49 = arith.constant 640 : i32
    %mul3A_50 = arith.muli %arg1, %mul3A_49 : i32
    "tpu.region"() ({
      %run_scoped3A = tpu.sem_alloc : memref<!tpu.dma_semaphore, #tpu.memory_space<semaphore_mem>>
      %dma_start3A = arith.constant 0 : i32
      %dma_start3A_51 = tpu.memref_slice %arg4[%arg0, %dma_start3A] : memref<2x10240xf32, #tpu.memory_space<hbm>> -> memref<1x10240xf32, #tpu.memory_space<hbm>>
      %dma_start3A_52 = tpu.memref_squeeze %dma_start3A_51 : memref<1x10240xf32, #tpu.memory_space<hbm>> -> memref<10240xf32, #tpu.memory_space<hbm>>
      %dma_start3A_53 = tpu.memref_slice %dma_start3A_52[%mul3A_50] : memref<10240xf32, #tpu.memory_space<hbm>> -> memref<640xf32, #tpu.memory_space<hbm>>
      %dma_start3A_54 = tpu.memref_slice %arg7[%mul3A_48] : memref<10240xf32, #tpu.memory_space<vmem_shared>> -> memref<640xf32, #tpu.memory_space<vmem_shared>>
      tpu.enqueue_dma source(%dma_start3A_54 : memref<640xf32, #tpu.memory_space<vmem_shared>>) target(%dma_start3A_53 : memref<640xf32, #tpu.memory_space<hbm>>) target_semaphore(%run_scoped3A : memref<!tpu.dma_semaphore, #tpu.memory_space<semaphore_mem>>)
      %dma_wait3A = arith.constant 0 : i32
      %dma_wait3A_55 = tpu.memref_slice %arg4[%arg0, %dma_wait3A] : memref<2x10240xf32, #tpu.memory_space<hbm>> -> memref<1x10240xf32, #tpu.memory_space<hbm>>
      %dma_wait3A_56 = tpu.memref_squeeze %dma_wait3A_55 : memref<1x10240xf32, #tpu.memory_space<hbm>> -> memref<10240xf32, #tpu.memory_space<hbm>>
      %dma_wait3A_57 = tpu.memref_slice %dma_wait3A_56[%mul3A_50] : memref<10240xf32, #tpu.memory_space<hbm>> -> memref<640xf32, #tpu.memory_space<hbm>>
      %dma_wait3A_58 = tpu.memref_slice %arg7[%mul3A_48] : memref<10240xf32, #tpu.memory_space<vmem_shared>> -> memref<640xf32, #tpu.memory_space<vmem_shared>>
      tpu.wait_dma2 semaphore(%run_scoped3A : memref<!tpu.dma_semaphore, #tpu.memory_space<semaphore_mem>>) src(%dma_wait3A_58 : memref<640xf32, #tpu.memory_space<vmem_shared>>) dst(%dma_wait3A_57 : memref<640xf32, #tpu.memory_space<hbm>>)
      tpu.yield
    }) : () -> ()
    return
  }
}

#map = affine_map<(d0, d1) -> (0, 0)>
#map1 = affine_map<(d0, d1) -> (0, 0, 0, 0, 0)>
#map2 = affine_map<(d0, d1) -> (0, 0, 0)>
module attributes {stable_mosaic.version = 14 : i64} {
  func.func @_hop_body(%arg0: i32, %arg1: i32, %arg2: memref<10000x128xf32, #tpu.memory_space<hbm>>, %arg3: memref<32x25x2x5x80xi32, #tpu.memory_space<hbm>>, %arg4: memref<632x128xf32, #tpu.memory_space<hbm>>, %arg5: memref<2x10112x128xf32, #tpu.memory_space<hbm>>, %arg6: memref<3x2x5x80xi32, #tpu.memory_space<vmem>>, %arg7: memref<4x80x128xf32, #tpu.memory_space<vmem>>, %arg8: memref<10112x128xf32, #tpu.memory_space<vmem_shared>>, %arg9: memref<!tpu.dma_semaphore, #tpu.memory_space<semaphore_mem>>, %arg10: memref<!tpu.dma_semaphore, #tpu.memory_space<semaphore_mem>>, %arg11: memref<!tpu.dma_semaphore, #tpu.memory_space<semaphore_mem>>) attributes {dimension_semantics = [#tpu.dimension_semantics<core_parallel>, #tpu.dimension_semantics<subcore_parallel>], iteration_bounds = array<i64: 2, 16>, scalar_prefetch = 0 : i64, scratch_operands = 6 : i64, tpu.core_type = #tpu.core_type<sc_vector_subcore>, window_params = [{transform_indices = #map}, {transform_indices = #map1}, {transform_indices = #map}, {transform_indices = #map2}]} {
    %mul3A = arith.constant 2 : i32
    %mul3A_0 = arith.muli %arg1, %mul3A : i32
    %add3A = arith.addi %mul3A_0, %arg0 : i32
    %mul3A_1 = arith.constant 632 : i32
    %mul3A_2 = arith.muli %arg1, %mul3A_1 : i32
    %dma_start3A = arith.constant 0 : i32
    %dma_start3A_3 = tpu.memref_slice %arg8[%mul3A_2, %dma_start3A] : memref<10112x128xf32, #tpu.memory_space<vmem_shared>> -> memref<632x128xf32, #tpu.memory_space<vmem_shared>>
    tpu.enqueue_dma source(%arg4 : memref<632x128xf32, #tpu.memory_space<hbm>>) target(%dma_start3A_3 : memref<632x128xf32, #tpu.memory_space<vmem_shared>>) target_semaphore(%arg10 : memref<!tpu.dma_semaphore, #tpu.memory_space<semaphore_mem>>)
    %run_scoped3A = arith.constant 0 : i32
    %run_scoped3A_4 = arith.constant 0 : i32
    "tpu.region"() ({
      %run_scoped3A_126 = tpu.sem_alloc : memref<!tpu.dma_semaphore, #tpu.memory_space<semaphore_mem>>
      %dma_start3A_127 = arith.constant 0 : i32
      %dma_start3A_128 = arith.constant 0 : i32
      %dma_start3A_129 = arith.constant 0 : i32
      %dma_start3A_130 = tpu.memref_slice %arg6[%run_scoped3A_4, %dma_start3A_127, %dma_start3A_128, %dma_start3A_129] : memref<3x2x5x80xi32, #tpu.memory_space<vmem>> -> memref<1x2x5x80xi32, #tpu.memory_space<vmem>>
      %dma_start3A_131 = tpu.memref_squeeze %dma_start3A_130 : memref<1x2x5x80xi32, #tpu.memory_space<vmem>> -> memref<2x5x80xi32, #tpu.memory_space<vmem>>
      %dma_start3A_132 = arith.constant 0 : i32
      %dma_start3A_133 = arith.constant 0 : i32
      %dma_start3A_134 = arith.constant 0 : i32
      %dma_start3A_135 = arith.constant 0 : i32
      %dma_start3A_136 = tpu.memref_slice %arg3[%add3A, %dma_start3A_132, %dma_start3A_133, %dma_start3A_134, %dma_start3A_135] : memref<32x25x2x5x80xi32, #tpu.memory_space<hbm>> -> memref<1x25x2x5x80xi32, #tpu.memory_space<hbm>>
      %dma_start3A_137 = tpu.memref_squeeze %dma_start3A_136 : memref<1x25x2x5x80xi32, #tpu.memory_space<hbm>> -> memref<25x2x5x80xi32, #tpu.memory_space<hbm>>
      %dma_start3A_138 = arith.constant 0 : i32
      %dma_start3A_139 = arith.constant 0 : i32
      %dma_start3A_140 = arith.constant 0 : i32
      %dma_start3A_141 = tpu.memref_slice %dma_start3A_137[%run_scoped3A, %dma_start3A_138, %dma_start3A_139, %dma_start3A_140] : memref<25x2x5x80xi32, #tpu.memory_space<hbm>> -> memref<1x2x5x80xi32, #tpu.memory_space<hbm>>
      %dma_start3A_142 = tpu.memref_squeeze %dma_start3A_141 : memref<1x2x5x80xi32, #tpu.memory_space<hbm>> -> memref<2x5x80xi32, #tpu.memory_space<hbm>>
      %dma_start3A_143 = arith.constant 0 : i32
      %dma_start3A_144 = arith.constant 0 : i32
      %dma_start3A_145 = arith.constant 0 : i32
      %dma_start3A_146 = tpu.memref_slice %arg6[%run_scoped3A_4, %dma_start3A_143, %dma_start3A_144, %dma_start3A_145] : memref<3x2x5x80xi32, #tpu.memory_space<vmem>> -> memref<1x2x5x80xi32, #tpu.memory_space<vmem>>
      %dma_start3A_147 = tpu.memref_squeeze %dma_start3A_146 : memref<1x2x5x80xi32, #tpu.memory_space<vmem>> -> memref<2x5x80xi32, #tpu.memory_space<vmem>>
      %dma_start3A_148 = arith.constant 0 : i32
      %dma_start3A_149 = arith.constant 0 : i32
      %dma_start3A_150 = arith.constant 0 : i32
      %dma_start3A_151 = arith.constant 0 : i32
      %dma_start3A_152 = tpu.memref_slice %arg3[%add3A, %dma_start3A_148, %dma_start3A_149, %dma_start3A_150, %dma_start3A_151] : memref<32x25x2x5x80xi32, #tpu.memory_space<hbm>> -> memref<1x25x2x5x80xi32, #tpu.memory_space<hbm>>
      %dma_start3A_153 = tpu.memref_squeeze %dma_start3A_152 : memref<1x25x2x5x80xi32, #tpu.memory_space<hbm>> -> memref<25x2x5x80xi32, #tpu.memory_space<hbm>>
      %dma_start3A_154 = arith.constant 0 : i32
      %dma_start3A_155 = arith.constant 0 : i32
      %dma_start3A_156 = arith.constant 0 : i32
      %dma_start3A_157 = tpu.memref_slice %dma_start3A_153[%run_scoped3A, %dma_start3A_154, %dma_start3A_155, %dma_start3A_156] : memref<25x2x5x80xi32, #tpu.memory_space<hbm>> -> memref<1x2x5x80xi32, #tpu.memory_space<hbm>>
      %dma_start3A_158 = tpu.memref_squeeze %dma_start3A_157 : memref<1x2x5x80xi32, #tpu.memory_space<hbm>> -> memref<2x5x80xi32, #tpu.memory_space<hbm>>
      tpu.enqueue_dma source(%dma_start3A_158 : memref<2x5x80xi32, #tpu.memory_space<hbm>>) target(%dma_start3A_147 : memref<2x5x80xi32, #tpu.memory_space<vmem>>) target_semaphore(%run_scoped3A_126 : memref<!tpu.dma_semaphore, #tpu.memory_space<semaphore_mem>>)
      %dma_wait3A_159 = arith.constant 0 : i32
      %dma_wait3A_160 = arith.constant 0 : i32
      %dma_wait3A_161 = arith.constant 0 : i32
      %dma_wait3A_162 = tpu.memref_slice %arg6[%run_scoped3A_4, %dma_wait3A_159, %dma_wait3A_160, %dma_wait3A_161] : memref<3x2x5x80xi32, #tpu.memory_space<vmem>> -> memref<1x2x5x80xi32, #tpu.memory_space<vmem>>
      %dma_wait3A_163 = tpu.memref_squeeze %dma_wait3A_162 : memref<1x2x5x80xi32, #tpu.memory_space<vmem>> -> memref<2x5x80xi32, #tpu.memory_space<vmem>>
      %dma_wait3A_164 = arith.constant 0 : i32
      %dma_wait3A_165 = arith.constant 0 : i32
      %dma_wait3A_166 = arith.constant 0 : i32
      %dma_wait3A_167 = arith.constant 0 : i32
      %dma_wait3A_168 = tpu.memref_slice %arg3[%add3A, %dma_wait3A_164, %dma_wait3A_165, %dma_wait3A_166, %dma_wait3A_167] : memref<32x25x2x5x80xi32, #tpu.memory_space<hbm>> -> memref<1x25x2x5x80xi32, #tpu.memory_space<hbm>>
      %dma_wait3A_169 = tpu.memref_squeeze %dma_wait3A_168 : memref<1x25x2x5x80xi32, #tpu.memory_space<hbm>> -> memref<25x2x5x80xi32, #tpu.memory_space<hbm>>
      %dma_wait3A_170 = arith.constant 0 : i32
      %dma_wait3A_171 = arith.constant 0 : i32
      %dma_wait3A_172 = arith.constant 0 : i32
      %dma_wait3A_173 = tpu.memref_slice %dma_wait3A_169[%run_scoped3A, %dma_wait3A_170, %dma_wait3A_171, %dma_wait3A_172] : memref<25x2x5x80xi32, #tpu.memory_space<hbm>> -> memref<1x2x5x80xi32, #tpu.memory_space<hbm>>
      %dma_wait3A_174 = tpu.memref_squeeze %dma_wait3A_173 : memref<1x2x5x80xi32, #tpu.memory_space<hbm>> -> memref<2x5x80xi32, #tpu.memory_space<hbm>>
      %dma_wait3A_175 = arith.constant 0 : i32
      %dma_wait3A_176 = arith.constant 0 : i32
      %dma_wait3A_177 = arith.constant 0 : i32
      %dma_wait3A_178 = tpu.memref_slice %arg6[%run_scoped3A_4, %dma_wait3A_175, %dma_wait3A_176, %dma_wait3A_177] : memref<3x2x5x80xi32, #tpu.memory_space<vmem>> -> memref<1x2x5x80xi32, #tpu.memory_space<vmem>>
      %dma_wait3A_179 = tpu.memref_squeeze %dma_wait3A_178 : memref<1x2x5x80xi32, #tpu.memory_space<vmem>> -> memref<2x5x80xi32, #tpu.memory_space<vmem>>
      %dma_wait3A_180 = arith.constant 0 : i32
      %dma_wait3A_181 = arith.constant 0 : i32
      %dma_wait3A_182 = arith.constant 0 : i32
      %dma_wait3A_183 = arith.constant 0 : i32
      %dma_wait3A_184 = tpu.memref_slice %arg3[%add3A, %dma_wait3A_180, %dma_wait3A_181, %dma_wait3A_182, %dma_wait3A_183] : memref<32x25x2x5x80xi32, #tpu.memory_space<hbm>> -> memref<1x25x2x5x80xi32, #tpu.memory_space<hbm>>
      %dma_wait3A_185 = tpu.memref_squeeze %dma_wait3A_184 : memref<1x25x2x5x80xi32, #tpu.memory_space<hbm>> -> memref<25x2x5x80xi32, #tpu.memory_space<hbm>>
      %dma_wait3A_186 = arith.constant 0 : i32
      %dma_wait3A_187 = arith.constant 0 : i32
      %dma_wait3A_188 = arith.constant 0 : i32
      %dma_wait3A_189 = tpu.memref_slice %dma_wait3A_185[%run_scoped3A, %dma_wait3A_186, %dma_wait3A_187, %dma_wait3A_188] : memref<25x2x5x80xi32, #tpu.memory_space<hbm>> -> memref<1x2x5x80xi32, #tpu.memory_space<hbm>>
      %dma_wait3A_190 = tpu.memref_squeeze %dma_wait3A_189 : memref<1x2x5x80xi32, #tpu.memory_space<hbm>> -> memref<2x5x80xi32, #tpu.memory_space<hbm>>
      tpu.wait_dma2 semaphore(%run_scoped3A_126 : memref<!tpu.dma_semaphore, #tpu.memory_space<semaphore_mem>>) src(%dma_wait3A_190 : memref<2x5x80xi32, #tpu.memory_space<hbm>>) dst(%dma_wait3A_179 : memref<2x5x80xi32, #tpu.memory_space<vmem>>)
      tpu.yield
    }) : () -> ()
    %dma_start3A_5 = arith.constant 1 : i32
    %dma_start3A_6 = arith.constant 1 : i32
    %dma_start3A_7 = arith.constant 0 : i32
    %dma_start3A_8 = arith.constant 0 : i32
    %dma_start3A_9 = arith.constant 0 : i32
    %dma_start3A_10 = tpu.memref_slice %arg6[%dma_start3A_6, %dma_start3A_7, %dma_start3A_8, %dma_start3A_9] : memref<3x2x5x80xi32, #tpu.memory_space<vmem>> -> memref<1x2x5x80xi32, #tpu.memory_space<vmem>>
    %dma_start3A_11 = tpu.memref_squeeze %dma_start3A_10 : memref<1x2x5x80xi32, #tpu.memory_space<vmem>> -> memref<2x5x80xi32, #tpu.memory_space<vmem>>
    %dma_start3A_12 = arith.constant 0 : i32
    %dma_start3A_13 = arith.constant 0 : i32
    %dma_start3A_14 = arith.constant 0 : i32
    %dma_start3A_15 = arith.constant 0 : i32
    %dma_start3A_16 = tpu.memref_slice %arg3[%add3A, %dma_start3A_12, %dma_start3A_13, %dma_start3A_14, %dma_start3A_15] : memref<32x25x2x5x80xi32, #tpu.memory_space<hbm>> -> memref<1x25x2x5x80xi32, #tpu.memory_space<hbm>>
    %dma_start3A_17 = tpu.memref_squeeze %dma_start3A_16 : memref<1x25x2x5x80xi32, #tpu.memory_space<hbm>> -> memref<25x2x5x80xi32, #tpu.memory_space<hbm>>
    %dma_start3A_18 = arith.constant 0 : i32
    %dma_start3A_19 = arith.constant 0 : i32
    %dma_start3A_20 = arith.constant 0 : i32
    %dma_start3A_21 = tpu.memref_slice %dma_start3A_17[%dma_start3A_5, %dma_start3A_18, %dma_start3A_19, %dma_start3A_20] : memref<25x2x5x80xi32, #tpu.memory_space<hbm>> -> memref<1x2x5x80xi32, #tpu.memory_space<hbm>>
    %dma_start3A_22 = tpu.memref_squeeze %dma_start3A_21 : memref<1x2x5x80xi32, #tpu.memory_space<hbm>> -> memref<2x5x80xi32, #tpu.memory_space<hbm>>
    %dma_start3A_23 = arith.constant 0 : i32
    %dma_start3A_24 = arith.constant 0 : i32
    %dma_start3A_25 = arith.constant 0 : i32
    %dma_start3A_26 = tpu.memref_slice %arg6[%dma_start3A_6, %dma_start3A_23, %dma_start3A_24, %dma_start3A_25] : memref<3x2x5x80xi32, #tpu.memory_space<vmem>> -> memref<1x2x5x80xi32, #tpu.memory_space<vmem>>
    %dma_start3A_27 = tpu.memref_squeeze %dma_start3A_26 : memref<1x2x5x80xi32, #tpu.memory_space<vmem>> -> memref<2x5x80xi32, #tpu.memory_space<vmem>>
    %dma_start3A_28 = arith.constant 0 : i32
    %dma_start3A_29 = arith.constant 0 : i32
    %dma_start3A_30 = arith.constant 0 : i32
    %dma_start3A_31 = arith.constant 0 : i32
    %dma_start3A_32 = tpu.memref_slice %arg3[%add3A, %dma_start3A_28, %dma_start3A_29, %dma_start3A_30, %dma_start3A_31] : memref<32x25x2x5x80xi32, #tpu.memory_space<hbm>> -> memref<1x25x2x5x80xi32, #tpu.memory_space<hbm>>
    %dma_start3A_33 = tpu.memref_squeeze %dma_start3A_32 : memref<1x25x2x5x80xi32, #tpu.memory_space<hbm>> -> memref<25x2x5x80xi32, #tpu.memory_space<hbm>>
    %dma_start3A_34 = arith.constant 0 : i32
    %dma_start3A_35 = arith.constant 0 : i32
    %dma_start3A_36 = arith.constant 0 : i32
    %dma_start3A_37 = tpu.memref_slice %dma_start3A_33[%dma_start3A_5, %dma_start3A_34, %dma_start3A_35, %dma_start3A_36] : memref<25x2x5x80xi32, #tpu.memory_space<hbm>> -> memref<1x2x5x80xi32, #tpu.memory_space<hbm>>
    %dma_start3A_38 = tpu.memref_squeeze %dma_start3A_37 : memref<1x2x5x80xi32, #tpu.memory_space<hbm>> -> memref<2x5x80xi32, #tpu.memory_space<hbm>>
    tpu.enqueue_dma source(%dma_start3A_38 : memref<2x5x80xi32, #tpu.memory_space<hbm>>) target(%dma_start3A_27 : memref<2x5x80xi32, #tpu.memory_space<vmem>>) target_semaphore(%arg11 : memref<!tpu.dma_semaphore, #tpu.memory_space<semaphore_mem>>)
    %dma_start3A_39 = arith.constant 0 : i32
    %dma_start3A_40 = arith.constant 0 : i32
    %dma_start3A_41 = arith.constant 0 : i32
    %dma_start3A_42 = arith.constant 0 : i32
    %dma_start3A_43 = arith.constant 0 : i32
    %dma_start3A_44 = arith.constant 0 : i32
    %dma_start3A_45 = tpu.memref_slice %arg7[%dma_start3A_42, %dma_start3A_43, %dma_start3A_44] : memref<4x80x128xf32, #tpu.memory_space<vmem>> -> memref<1x80x128xf32, #tpu.memory_space<vmem>>
    %dma_start3A_46 = tpu.memref_squeeze %dma_start3A_45 : memref<1x80x128xf32, #tpu.memory_space<vmem>> -> memref<80x128xf32, #tpu.memory_space<vmem>>
    %dma_start3A_47 = arith.constant 0 : i32
    %dma_start3A_48 = arith.constant 0 : i32
    %dma_start3A_49 = arith.constant 0 : i32
    %dma_start3A_50 = tpu.memref_slice %arg6[%dma_start3A_39, %dma_start3A_47, %dma_start3A_48, %dma_start3A_49] : memref<3x2x5x80xi32, #tpu.memory_space<vmem>> -> memref<1x2x5x80xi32, #tpu.memory_space<vmem>>
    %dma_start3A_51 = tpu.memref_squeeze %dma_start3A_50 : memref<1x2x5x80xi32, #tpu.memory_space<vmem>> -> memref<2x5x80xi32, #tpu.memory_space<vmem>>
    %dma_start3A_52 = arith.constant 0 : i32
    %dma_start3A_53 = arith.constant 0 : i32
    %dma_start3A_54 = tpu.memref_slice %dma_start3A_51[%dma_start3A_40, %dma_start3A_52, %dma_start3A_53] : memref<2x5x80xi32, #tpu.memory_space<vmem>> -> memref<1x5x80xi32, #tpu.memory_space<vmem>>
    %dma_start3A_55 = tpu.memref_squeeze %dma_start3A_54 : memref<1x5x80xi32, #tpu.memory_space<vmem>> -> memref<5x80xi32, #tpu.memory_space<vmem>>
    %dma_start3A_56 = arith.constant 0 : i32
    %dma_start3A_57 = tpu.memref_slice %dma_start3A_55[%dma_start3A_41, %dma_start3A_56] : memref<5x80xi32, #tpu.memory_space<vmem>> -> memref<1x80xi32, #tpu.memory_space<vmem>>
    %dma_start3A_58 = tpu.memref_squeeze %dma_start3A_57 : memref<1x80xi32, #tpu.memory_space<vmem>> -> memref<80xi32, #tpu.memory_space<vmem>>
    %dma_start3A_59 = arith.constant 0 : i32
    %dma_start3A_60 = arith.constant 0 : i32
    %dma_start3A_61 = tpu.memref_slice %arg2[%dma_start3A_59, %dma_start3A_60] : memref<10000x128xf32, #tpu.memory_space<hbm>> -> memref<10000x128xf32, #tpu.memory_space<hbm>>
    tpu.enqueue_indirect_dma source(%dma_start3A_61 : memref<10000x128xf32, #tpu.memory_space<hbm>>) target(%dma_start3A_46 : memref<80x128xf32, #tpu.memory_space<vmem>>) offsets(%dma_start3A_58 : memref<80xi32, #tpu.memory_space<vmem>>) semaphore(%arg9 : memref<!tpu.dma_semaphore, #tpu.memory_space<semaphore_mem>>)
    %dma_start3A_62 = arith.constant 0 : i32
    %dma_start3A_63 = arith.constant 0 : i32
    %dma_start3A_64 = arith.constant 1 : i32
    %dma_start3A_65 = arith.constant 1 : i32
    %dma_start3A_66 = arith.constant 0 : i32
    %dma_start3A_67 = arith.constant 0 : i32
    %dma_start3A_68 = tpu.memref_slice %arg7[%dma_start3A_65, %dma_start3A_66, %dma_start3A_67] : memref<4x80x128xf32, #tpu.memory_space<vmem>> -> memref<1x80x128xf32, #tpu.memory_space<vmem>>
    %dma_start3A_69 = tpu.memref_squeeze %dma_start3A_68 : memref<1x80x128xf32, #tpu.memory_space<vmem>> -> memref<80x128xf32, #tpu.memory_space<vmem>>
    %dma_start3A_70 = arith.constant 0 : i32
    %dma_start3A_71 = arith.constant 0 : i32
    %dma_start3A_72 = arith.constant 0 : i32
    %dma_start3A_73 = tpu.memref_slice %arg6[%dma_start3A_62, %dma_start3A_70, %dma_start3A_71, %dma_start3A_72] : memref<3x2x5x80xi32, #tpu.memory_space<vmem>> -> memref<1x2x5x80xi32, #tpu.memory_space<vmem>>
    %dma_start3A_74 = tpu.memref_squeeze %dma_start3A_73 : memref<1x2x5x80xi32, #tpu.memory_space<vmem>> -> memref<2x5x80xi32, #tpu.memory_space<vmem>>
    %dma_start3A_75 = arith.constant 0 : i32
    %dma_start3A_76 = arith.constant 0 : i32
    %dma_start3A_77 = tpu.memref_slice %dma_start3A_74[%dma_start3A_63, %dma_start3A_75, %dma_start3A_76] : memref<2x5x80xi32, #tpu.memory_space<vmem>> -> memref<1x5x80xi32, #tpu.memory_space<vmem>>
    %dma_start3A_78 = tpu.memref_squeeze %dma_start3A_77 : memref<1x5x80xi32, #tpu.memory_space<vmem>> -> memref<5x80xi32, #tpu.memory_space<vmem>>
    %dma_start3A_79 = arith.constant 0 : i32
    %dma_start3A_80 = tpu.memref_slice %dma_start3A_78[%dma_start3A_64, %dma_start3A_79] : memref<5x80xi32, #tpu.memory_space<vmem>> -> memref<1x80xi32, #tpu.memory_space<vmem>>
    %dma_start3A_81 = tpu.memref_squeeze %dma_start3A_80 : memref<1x80xi32, #tpu.memory_space<vmem>> -> memref<80xi32, #tpu.memory_space<vmem>>
    %dma_start3A_82 = arith.constant 0 : i32
    %dma_start3A_83 = arith.constant 0 : i32
    %dma_start3A_84 = tpu.memref_slice %arg2[%dma_start3A_82, %dma_start3A_83] : memref<10000x128xf32, #tpu.memory_space<hbm>> -> memref<10000x128xf32, #tpu.memory_space<hbm>>
    tpu.enqueue_indirect_dma source(%dma_start3A_84 : memref<10000x128xf32, #tpu.memory_space<hbm>>) target(%dma_start3A_69 : memref<80x128xf32, #tpu.memory_space<vmem>>) offsets(%dma_start3A_81 : memref<80xi32, #tpu.memory_space<vmem>>) semaphore(%arg9 : memref<!tpu.dma_semaphore, #tpu.memory_space<semaphore_mem>>)
    %dma_wait3A = arith.constant 0 : i32
    %dma_wait3A_85 = tpu.memref_slice %arg8[%mul3A_2, %dma_wait3A] : memref<10112x128xf32, #tpu.memory_space<vmem_shared>> -> memref<632x128xf32, #tpu.memory_space<vmem_shared>>
    tpu.wait_dma2 semaphore(%arg10 : memref<!tpu.dma_semaphore, #tpu.memory_space<semaphore_mem>>) src(%arg4 : memref<632x128xf32, #tpu.memory_space<hbm>>) dst(%dma_wait3A_85 : memref<632x128xf32, #tpu.memory_space<vmem_shared>>)
    %barrier3A = arith.constant 0 : index
    tpu.barrier barrier_id(%barrier3A)
    %scan3A = arith.constant 0 : i32
    %scan3A_86 = arith.constant 0 : i32
    %scan3A_87 = arith.constant 125 : i32
    %scan3A_88 = arith.addi %scan3A_86, %scan3A_87 : i32
    %scan3A_89 = arith.constant 1 : i32
    scf.for %scan3A_126 = %scan3A_86 to %scan3A_88 step %scan3A_89  : i32 {
      %jit3A = arith.constant 5 : i32
      %div3A = arith.divsi %scan3A_126, %jit3A : i32
      %sign3A = arith.constant 0 : i32
      %sign3A_127 = arith.cmpi sgt, %scan3A_126, %sign3A : i32
      %sign3A_128 = arith.extui %sign3A_127 : i1 to i32
      %sign3A_129 = arith.constant 0 : i32
      %sign3A_130 = arith.cmpi slt, %scan3A_126, %sign3A_129 : i32
      %sign3A_131 = arith.extui %sign3A_130 : i1 to i32
      %sign3A_132 = arith.subi %sign3A_128, %sign3A_131 : i32
      %sign3A_133 = arith.constant 0 : i32
      %sign3A_134 = arith.cmpi sgt, %jit3A, %sign3A_133 : i32
      %sign3A_135 = arith.extui %sign3A_134 : i1 to i32
      %sign3A_136 = arith.constant 0 : i32
      %sign3A_137 = arith.cmpi slt, %jit3A, %sign3A_136 : i32
      %sign3A_138 = arith.extui %sign3A_137 : i1 to i32
      %sign3A_139 = arith.subi %sign3A_135, %sign3A_138 : i32
      %ne3A = arith.cmpi ne, %sign3A_132, %sign3A_139 : i32
      %rem3A = arith.remsi %scan3A_126, %jit3A : i32
      %ne3A_140 = arith.constant 0 : i32
      %ne3A_141 = arith.cmpi ne, %rem3A, %ne3A_140 : i32
      %and3A = arith.andi %ne3A, %ne3A_141 : i1
      %sub3A = arith.constant 1 : i32
      %sub3A_142 = arith.subi %div3A, %sub3A : i32
      %select_n3A = arith.select %and3A, %sub3A_142, %div3A : i32
      %rem3A_143 = arith.constant 5 : i32
      %rem3A_144 = arith.remsi %scan3A_126, %rem3A_143 : i32
      %rem3A_145 = arith.constant 3 : i32
      %rem3A_146 = arith.remsi %select_n3A, %rem3A_145 : i32
      %rem3A_147 = arith.constant 4 : i32
      %rem3A_148 = arith.remsi %scan3A_126, %rem3A_147 : i32
      %dma_wait3A_149 = arith.constant 0 : i32
      %dma_wait3A_150 = arith.constant 0 : i32
      %dma_wait3A_151 = arith.constant 0 : i32
      %dma_wait3A_152 = tpu.memref_slice %arg7[%dma_wait3A_149, %dma_wait3A_150, %dma_wait3A_151] : memref<4x80x128xf32, #tpu.memory_space<vmem>> -> memref<1x80x128xf32, #tpu.memory_space<vmem>>
      %dma_wait3A_153 = tpu.memref_squeeze %dma_wait3A_152 : memref<1x80x128xf32, #tpu.memory_space<vmem>> -> memref<80x128xf32, #tpu.memory_space<vmem>>
      %dma_wait3A_154 = arith.constant 0 : i32
      %dma_wait3A_155 = arith.constant 0 : i32
      %dma_wait3A_156 = tpu.memref_slice %arg2[%dma_wait3A_154, %dma_wait3A_155] : memref<10000x128xf32, #tpu.memory_space<hbm>> -> memref<80x128xf32, #tpu.memory_space<hbm>>
      %dma_wait3A_157 = arith.constant 0 : i32
      %dma_wait3A_158 = arith.constant 0 : i32
      %dma_wait3A_159 = tpu.memref_slice %arg7[%dma_wait3A_149, %dma_wait3A_157, %dma_wait3A_158] : memref<4x80x128xf32, #tpu.memory_space<vmem>> -> memref<1x80x128xf32, #tpu.memory_space<vmem>>
      %dma_wait3A_160 = tpu.memref_squeeze %dma_wait3A_159 : memref<1x80x128xf32, #tpu.memory_space<vmem>> -> memref<80x128xf32, #tpu.memory_space<vmem>>
      %dma_wait3A_161 = arith.constant 0 : i32
      %dma_wait3A_162 = arith.constant 0 : i32
      %dma_wait3A_163 = tpu.memref_slice %arg2[%dma_wait3A_161, %dma_wait3A_162] : memref<10000x128xf32, #tpu.memory_space<hbm>> -> memref<80x128xf32, #tpu.memory_space<hbm>>
      tpu.wait_dma2 semaphore(%arg9 : memref<!tpu.dma_semaphore, #tpu.memory_space<semaphore_mem>>) src(%dma_wait3A_163 : memref<80x128xf32, #tpu.memory_space<hbm>>) dst(%dma_wait3A_160 : memref<80x128xf32, #tpu.memory_space<vmem>>)
      %eq3A = arith.constant 2 : i32
      %eq3A_164 = arith.cmpi eq, %rem3A_144, %eq3A : i32
      %add3A_165 = arith.constant 2 : i32
      %add3A_166 = arith.addi %select_n3A, %add3A_165 : i32
      %lt3A = arith.constant 25 : i32
      %lt3A_167 = arith.cmpi slt, %add3A_166, %lt3A : i32
      %and3A_168 = arith.andi %eq3A_164, %lt3A_167 : i1
      %convert_element_type3A = arith.extui %and3A_168 : i1 to i32
      %cond3A = arith.constant 0 : i32
      %cond3A_169 = arith.cmpi ne, %convert_element_type3A, %cond3A : i32
      scf.if %cond3A_169 {
        %add3A_235 = arith.constant 2 : i32
        %add3A_236 = arith.addi %select_n3A, %add3A_235 : i32
        %add3A_237 = arith.constant 2 : i32
        %add3A_238 = arith.addi %select_n3A, %add3A_237 : i32
        %rem3A_239 = arith.constant 3 : i32
        %rem3A_240 = arith.remsi %add3A_238, %rem3A_239 : i32
        %dma_start3A_241 = arith.constant 0 : i32
        %dma_start3A_242 = arith.constant 0 : i32
        %dma_start3A_243 = arith.constant 0 : i32
        %dma_start3A_244 = tpu.memref_slice %arg6[%rem3A_240, %dma_start3A_241, %dma_start3A_242, %dma_start3A_243] : memref<3x2x5x80xi32, #tpu.memory_space<vmem>> -> memref<1x2x5x80xi32, #tpu.memory_space<vmem>>
        %dma_start3A_245 = tpu.memref_squeeze %dma_start3A_244 : memref<1x2x5x80xi32, #tpu.memory_space<vmem>> -> memref<2x5x80xi32, #tpu.memory_space<vmem>>
        %dma_start3A_246 = arith.constant 0 : i32
        %dma_start3A_247 = arith.constant 0 : i32
        %dma_start3A_248 = arith.constant 0 : i32
        %dma_start3A_249 = arith.constant 0 : i32
        %dma_start3A_250 = tpu.memref_slice %arg3[%add3A, %dma_start3A_246, %dma_start3A_247, %dma_start3A_248, %dma_start3A_249] : memref<32x25x2x5x80xi32, #tpu.memory_space<hbm>> -> memref<1x25x2x5x80xi32, #tpu.memory_space<hbm>>
        %dma_start3A_251 = tpu.memref_squeeze %dma_start3A_250 : memref<1x25x2x5x80xi32, #tpu.memory_space<hbm>> -> memref<25x2x5x80xi32, #tpu.memory_space<hbm>>
        %dma_start3A_252 = arith.constant 0 : i32
        %dma_start3A_253 = arith.constant 0 : i32
        %dma_start3A_254 = arith.constant 0 : i32
        %dma_start3A_255 = tpu.memref_slice %dma_start3A_251[%add3A_236, %dma_start3A_252, %dma_start3A_253, %dma_start3A_254] : memref<25x2x5x80xi32, #tpu.memory_space<hbm>> -> memref<1x2x5x80xi32, #tpu.memory_space<hbm>>
        %dma_start3A_256 = tpu.memref_squeeze %dma_start3A_255 : memref<1x2x5x80xi32, #tpu.memory_space<hbm>> -> memref<2x5x80xi32, #tpu.memory_space<hbm>>
        %dma_start3A_257 = arith.constant 0 : i32
        %dma_start3A_258 = arith.constant 0 : i32
        %dma_start3A_259 = arith.constant 0 : i32
        %dma_start3A_260 = tpu.memref_slice %arg6[%rem3A_240, %dma_start3A_257, %dma_start3A_258, %dma_start3A_259] : memref<3x2x5x80xi32, #tpu.memory_space<vmem>> -> memref<1x2x5x80xi32, #tpu.memory_space<vmem>>
        %dma_start3A_261 = tpu.memref_squeeze %dma_start3A_260 : memref<1x2x5x80xi32, #tpu.memory_space<vmem>> -> memref<2x5x80xi32, #tpu.memory_space<vmem>>
        %dma_start3A_262 = arith.constant 0 : i32
        %dma_start3A_263 = arith.constant 0 : i32
        %dma_start3A_264 = arith.constant 0 : i32
        %dma_start3A_265 = arith.constant 0 : i32
        %dma_start3A_266 = tpu.memref_slice %arg3[%add3A, %dma_start3A_262, %dma_start3A_263, %dma_start3A_264, %dma_start3A_265] : memref<32x25x2x5x80xi32, #tpu.memory_space<hbm>> -> memref<1x25x2x5x80xi32, #tpu.memory_space<hbm>>
        %dma_start3A_267 = tpu.memref_squeeze %dma_start3A_266 : memref<1x25x2x5x80xi32, #tpu.memory_space<hbm>> -> memref<25x2x5x80xi32, #tpu.memory_space<hbm>>
        %dma_start3A_268 = arith.constant 0 : i32
        %dma_start3A_269 = arith.constant 0 : i32
        %dma_start3A_270 = arith.constant 0 : i32
        %dma_start3A_271 = tpu.memref_slice %dma_start3A_267[%add3A_236, %dma_start3A_268, %dma_start3A_269, %dma_start3A_270] : memref<25x2x5x80xi32, #tpu.memory_space<hbm>> -> memref<1x2x5x80xi32, #tpu.memory_space<hbm>>
        %dma_start3A_272 = tpu.memref_squeeze %dma_start3A_271 : memref<1x2x5x80xi32, #tpu.memory_space<hbm>> -> memref<2x5x80xi32, #tpu.memory_space<hbm>>
        tpu.enqueue_dma source(%dma_start3A_272 : memref<2x5x80xi32, #tpu.memory_space<hbm>>) target(%dma_start3A_261 : memref<2x5x80xi32, #tpu.memory_space<vmem>>) target_semaphore(%arg11 : memref<!tpu.dma_semaphore, #tpu.memory_space<semaphore_mem>>)
      } else {
      }
      %dma_start3A_170 = arith.constant 1 : i32
      %dma_start3A_171 = arith.constant 0 : i32
      %dma_start3A_172 = arith.constant 0 : i32
      %dma_start3A_173 = tpu.memref_slice %arg7[%rem3A_148, %dma_start3A_171, %dma_start3A_172] : memref<4x80x128xf32, #tpu.memory_space<vmem>> -> memref<1x80x128xf32, #tpu.memory_space<vmem>>
      %dma_start3A_174 = tpu.memref_squeeze %dma_start3A_173 : memref<1x80x128xf32, #tpu.memory_space<vmem>> -> memref<80x128xf32, #tpu.memory_space<vmem>>
      %dma_start3A_175 = arith.constant 0 : i32
      %dma_start3A_176 = arith.constant 0 : i32
      %dma_start3A_177 = arith.constant 0 : i32
      %dma_start3A_178 = tpu.memref_slice %arg6[%rem3A_146, %dma_start3A_175, %dma_start3A_176, %dma_start3A_177] : memref<3x2x5x80xi32, #tpu.memory_space<vmem>> -> memref<1x2x5x80xi32, #tpu.memory_space<vmem>>
      %dma_start3A_179 = tpu.memref_squeeze %dma_start3A_178 : memref<1x2x5x80xi32, #tpu.memory_space<vmem>> -> memref<2x5x80xi32, #tpu.memory_space<vmem>>
      %dma_start3A_180 = arith.constant 0 : i32
      %dma_start3A_181 = arith.constant 0 : i32
      %dma_start3A_182 = tpu.memref_slice %dma_start3A_179[%dma_start3A_170, %dma_start3A_180, %dma_start3A_181] : memref<2x5x80xi32, #tpu.memory_space<vmem>> -> memref<1x5x80xi32, #tpu.memory_space<vmem>>
      %dma_start3A_183 = tpu.memref_squeeze %dma_start3A_182 : memref<1x5x80xi32, #tpu.memory_space<vmem>> -> memref<5x80xi32, #tpu.memory_space<vmem>>
      %dma_start3A_184 = arith.constant 0 : i32
      %dma_start3A_185 = tpu.memref_slice %dma_start3A_183[%rem3A_144, %dma_start3A_184] : memref<5x80xi32, #tpu.memory_space<vmem>> -> memref<1x80xi32, #tpu.memory_space<vmem>>
      %dma_start3A_186 = tpu.memref_squeeze %dma_start3A_185 : memref<1x80xi32, #tpu.memory_space<vmem>> -> memref<80xi32, #tpu.memory_space<vmem>>
      %dma_start3A_187 = arith.constant 0 : i32
      %dma_start3A_188 = arith.constant 0 : i32
      %dma_start3A_189 = tpu.memref_slice %arg8[%dma_start3A_187, %dma_start3A_188] : memref<10112x128xf32, #tpu.memory_space<vmem_shared>> -> memref<10112x128xf32, #tpu.memory_space<vmem_shared>>
      tpu.enqueue_indirect_dma source(%dma_start3A_174 : memref<80x128xf32, #tpu.memory_space<vmem>>) target(%dma_start3A_189 : memref<10112x128xf32, #tpu.memory_space<vmem_shared>>) offsets(%dma_start3A_186 : memref<80xi32, #tpu.memory_space<vmem>>) semaphore(%arg10 : memref<!tpu.dma_semaphore, #tpu.memory_space<semaphore_mem>>) {add = true}
      %ge3A = arith.constant 2 : i32
      %ge3A_190 = arith.cmpi sge, %scan3A_126, %ge3A : i32
      %convert_element_type3A_191 = arith.extui %ge3A_190 : i1 to i32
      %cond3A_192 = arith.constant 0 : i32
      %cond3A_193 = arith.cmpi ne, %convert_element_type3A_191, %cond3A_192 : i32
      scf.if %cond3A_193 {
        %dma_wait3A_235 = arith.constant 0 : i32
        %dma_wait3A_236 = arith.constant 0 : i32
        %dma_wait3A_237 = arith.constant 0 : i32
        %dma_wait3A_238 = tpu.memref_slice %arg7[%dma_wait3A_235, %dma_wait3A_236, %dma_wait3A_237] : memref<4x80x128xf32, #tpu.memory_space<vmem>> -> memref<1x80x128xf32, #tpu.memory_space<vmem>>
        %dma_wait3A_239 = tpu.memref_squeeze %dma_wait3A_238 : memref<1x80x128xf32, #tpu.memory_space<vmem>> -> memref<80x128xf32, #tpu.memory_space<vmem>>
        %dma_wait3A_240 = arith.constant 0 : i32
        %dma_wait3A_241 = arith.constant 0 : i32
        %dma_wait3A_242 = tpu.memref_slice %arg2[%dma_wait3A_240, %dma_wait3A_241] : memref<10000x128xf32, #tpu.memory_space<hbm>> -> memref<80x128xf32, #tpu.memory_space<hbm>>
        %dma_wait3A_243 = arith.constant 0 : i32
        %dma_wait3A_244 = arith.constant 0 : i32
        %dma_wait3A_245 = tpu.memref_slice %arg7[%dma_wait3A_235, %dma_wait3A_243, %dma_wait3A_244] : memref<4x80x128xf32, #tpu.memory_space<vmem>> -> memref<1x80x128xf32, #tpu.memory_space<vmem>>
        %dma_wait3A_246 = tpu.memref_squeeze %dma_wait3A_245 : memref<1x80x128xf32, #tpu.memory_space<vmem>> -> memref<80x128xf32, #tpu.memory_space<vmem>>
        %dma_wait3A_247 = arith.constant 0 : i32
        %dma_wait3A_248 = arith.constant 0 : i32
        %dma_wait3A_249 = tpu.memref_slice %arg2[%dma_wait3A_247, %dma_wait3A_248] : memref<10000x128xf32, #tpu.memory_space<hbm>> -> memref<80x128xf32, #tpu.memory_space<hbm>>
        tpu.wait_dma2 semaphore(%arg10 : memref<!tpu.dma_semaphore, #tpu.memory_space<semaphore_mem>>) src(%dma_wait3A_249 : memref<80x128xf32, #tpu.memory_space<hbm>>) dst(%dma_wait3A_246 : memref<80x128xf32, #tpu.memory_space<vmem>>)
      } else {
      }
      %add3A_194 = arith.constant 2 : i32
      %add3A_195 = arith.addi %scan3A_126, %add3A_194 : i32
      %jit3A_196 = arith.constant 5 : i32
      %div3A_197 = arith.divsi %add3A_195, %jit3A_196 : i32
      %sign3A_198 = arith.constant 0 : i32
      %sign3A_199 = arith.cmpi sgt, %add3A_195, %sign3A_198 : i32
      %sign3A_200 = arith.extui %sign3A_199 : i1 to i32
      %sign3A_201 = arith.constant 0 : i32
      %sign3A_202 = arith.cmpi slt, %add3A_195, %sign3A_201 : i32
      %sign3A_203 = arith.extui %sign3A_202 : i1 to i32
      %sign3A_204 = arith.subi %sign3A_200, %sign3A_203 : i32
      %sign3A_205 = arith.constant 0 : i32
      %sign3A_206 = arith.cmpi sgt, %jit3A_196, %sign3A_205 : i32
      %sign3A_207 = arith.extui %sign3A_206 : i1 to i32
      %sign3A_208 = arith.constant 0 : i32
      %sign3A_209 = arith.cmpi slt, %jit3A_196, %sign3A_208 : i32
      %sign3A_210 = arith.extui %sign3A_209 : i1 to i32
      %sign3A_211 = arith.subi %sign3A_207, %sign3A_210 : i32
      %ne3A_212 = arith.cmpi ne, %sign3A_204, %sign3A_211 : i32
      %rem3A_213 = arith.remsi %add3A_195, %jit3A_196 : i32
      %ne3A_214 = arith.constant 0 : i32
      %ne3A_215 = arith.cmpi ne, %rem3A_213, %ne3A_214 : i32
      %and3A_216 = arith.andi %ne3A_212, %ne3A_215 : i1
      %sub3A_217 = arith.constant 1 : i32
      %sub3A_218 = arith.subi %div3A_197, %sub3A_217 : i32
      %select_n3A_219 = arith.select %and3A_216, %sub3A_218, %div3A_197 : i32
      %rem3A_220 = arith.constant 5 : i32
      %rem3A_221 = arith.remsi %add3A_195, %rem3A_220 : i32
      %lt3A_222 = arith.constant 125 : i32
      %lt3A_223 = arith.cmpi slt, %add3A_195, %lt3A_222 : i32
      %eq3A_224 = arith.constant 0 : i32
      %eq3A_225 = arith.cmpi eq, %rem3A_221, %eq3A_224 : i32
      %and3A_226 = arith.andi %lt3A_223, %eq3A_225 : i1
      %convert_element_type3A_227 = arith.extui %and3A_226 : i1 to i32
      %cond3A_228 = arith.constant 0 : i32
      %cond3A_229 = arith.cmpi ne, %convert_element_type3A_227, %cond3A_228 : i32
      scf.if %cond3A_229 {
        %dma_wait3A_235 = arith.constant 0 : i32
        %dma_wait3A_236 = arith.constant 0 : i32
        %dma_wait3A_237 = arith.constant 0 : i32
        %dma_wait3A_238 = arith.constant 0 : i32
        %dma_wait3A_239 = arith.constant 0 : i32
        %dma_wait3A_240 = arith.constant 0 : i32
        %dma_wait3A_241 = tpu.memref_slice %arg6[%dma_wait3A_237, %dma_wait3A_238, %dma_wait3A_239, %dma_wait3A_240] : memref<3x2x5x80xi32, #tpu.memory_space<vmem>> -> memref<1x2x5x80xi32, #tpu.memory_space<vmem>>
        %dma_wait3A_242 = tpu.memref_squeeze %dma_wait3A_241 : memref<1x2x5x80xi32, #tpu.memory_space<vmem>> -> memref<2x5x80xi32, #tpu.memory_space<vmem>>
        %dma_wait3A_243 = arith.constant 0 : i32
        %dma_wait3A_244 = arith.constant 0 : i32
        %dma_wait3A_245 = arith.constant 0 : i32
        %dma_wait3A_246 = arith.constant 0 : i32
        %dma_wait3A_247 = tpu.memref_slice %arg3[%dma_wait3A_235, %dma_wait3A_243, %dma_wait3A_244, %dma_wait3A_245, %dma_wait3A_246] : memref<32x25x2x5x80xi32, #tpu.memory_space<hbm>> -> memref<1x25x2x5x80xi32, #tpu.memory_space<hbm>>
        %dma_wait3A_248 = tpu.memref_squeeze %dma_wait3A_247 : memref<1x25x2x5x80xi32, #tpu.memory_space<hbm>> -> memref<25x2x5x80xi32, #tpu.memory_space<hbm>>
        %dma_wait3A_249 = arith.constant 0 : i32
        %dma_wait3A_250 = arith.constant 0 : i32
        %dma_wait3A_251 = arith.constant 0 : i32
        %dma_wait3A_252 = tpu.memref_slice %dma_wait3A_248[%dma_wait3A_236, %dma_wait3A_249, %dma_wait3A_250, %dma_wait3A_251] : memref<25x2x5x80xi32, #tpu.memory_space<hbm>> -> memref<1x2x5x80xi32, #tpu.memory_space<hbm>>
        %dma_wait3A_253 = tpu.memref_squeeze %dma_wait3A_252 : memref<1x2x5x80xi32, #tpu.memory_space<hbm>> -> memref<2x5x80xi32, #tpu.memory_space<hbm>>
        %dma_wait3A_254 = arith.constant 0 : i32
        %dma_wait3A_255 = arith.constant 0 : i32
        %dma_wait3A_256 = arith.constant 0 : i32
        %dma_wait3A_257 = tpu.memref_slice %arg6[%dma_wait3A_237, %dma_wait3A_254, %dma_wait3A_255, %dma_wait3A_256] : memref<3x2x5x80xi32, #tpu.memory_space<vmem>> -> memref<1x2x5x80xi32, #tpu.memory_space<vmem>>
        %dma_wait3A_258 = tpu.memref_squeeze %dma_wait3A_257 : memref<1x2x5x80xi32, #tpu.memory_space<vmem>> -> memref<2x5x80xi32, #tpu.memory_space<vmem>>
        %dma_wait3A_259 = arith.constant 0 : i32
        %dma_wait3A_260 = arith.constant 0 : i32
        %dma_wait3A_261 = arith.constant 0 : i32
        %dma_wait3A_262 = arith.constant 0 : i32
        %dma_wait3A_263 = tpu.memref_slice %arg3[%dma_wait3A_235, %dma_wait3A_259, %dma_wait3A_260, %dma_wait3A_261, %dma_wait3A_262] : memref<32x25x2x5x80xi32, #tpu.memory_space<hbm>> -> memref<1x25x2x5x80xi32, #tpu.memory_space<hbm>>
        %dma_wait3A_264 = tpu.memref_squeeze %dma_wait3A_263 : memref<1x25x2x5x80xi32, #tpu.memory_space<hbm>> -> memref<25x2x5x80xi32, #tpu.memory_space<hbm>>
        %dma_wait3A_265 = arith.constant 0 : i32
        %dma_wait3A_266 = arith.constant 0 : i32
        %dma_wait3A_267 = arith.constant 0 : i32
        %dma_wait3A_268 = tpu.memref_slice %dma_wait3A_264[%dma_wait3A_236, %dma_wait3A_265, %dma_wait3A_266, %dma_wait3A_267] : memref<25x2x5x80xi32, #tpu.memory_space<hbm>> -> memref<1x2x5x80xi32, #tpu.memory_space<hbm>>
        %dma_wait3A_269 = tpu.memref_squeeze %dma_wait3A_268 : memref<1x2x5x80xi32, #tpu.memory_space<hbm>> -> memref<2x5x80xi32, #tpu.memory_space<hbm>>
        tpu.wait_dma2 semaphore(%arg11 : memref<!tpu.dma_semaphore, #tpu.memory_space<semaphore_mem>>) src(%dma_wait3A_269 : memref<2x5x80xi32, #tpu.memory_space<hbm>>) dst(%dma_wait3A_258 : memref<2x5x80xi32, #tpu.memory_space<vmem>>)
      } else {
      }
      %lt3A_230 = arith.constant 125 : i32
      %lt3A_231 = arith.cmpi slt, %add3A_195, %lt3A_230 : i32
      %convert_element_type3A_232 = arith.extui %lt3A_231 : i1 to i32
      %cond3A_233 = arith.constant 0 : i32
      %cond3A_234 = arith.cmpi ne, %convert_element_type3A_232, %cond3A_233 : i32
      scf.if %cond3A_234 {
        %rem3A_235 = arith.constant 3 : i32
        %rem3A_236 = arith.remsi %select_n3A_219, %rem3A_235 : i32
        %rem3A_237 = arith.constant 4 : i32
        %rem3A_238 = arith.remsi %add3A_195, %rem3A_237 : i32
        %dma_start3A_239 = arith.constant 0 : i32
        %dma_start3A_240 = arith.constant 0 : i32
        %dma_start3A_241 = arith.constant 0 : i32
        %dma_start3A_242 = tpu.memref_slice %arg7[%rem3A_238, %dma_start3A_240, %dma_start3A_241] : memref<4x80x128xf32, #tpu.memory_space<vmem>> -> memref<1x80x128xf32, #tpu.memory_space<vmem>>
        %dma_start3A_243 = tpu.memref_squeeze %dma_start3A_242 : memref<1x80x128xf32, #tpu.memory_space<vmem>> -> memref<80x128xf32, #tpu.memory_space<vmem>>
        %dma_start3A_244 = arith.constant 0 : i32
        %dma_start3A_245 = arith.constant 0 : i32
        %dma_start3A_246 = arith.constant 0 : i32
        %dma_start3A_247 = tpu.memref_slice %arg6[%rem3A_236, %dma_start3A_244, %dma_start3A_245, %dma_start3A_246] : memref<3x2x5x80xi32, #tpu.memory_space<vmem>> -> memref<1x2x5x80xi32, #tpu.memory_space<vmem>>
        %dma_start3A_248 = tpu.memref_squeeze %dma_start3A_247 : memref<1x2x5x80xi32, #tpu.memory_space<vmem>> -> memref<2x5x80xi32, #tpu.memory_space<vmem>>
        %dma_start3A_249 = arith.constant 0 : i32
        %dma_start3A_250 = arith.constant 0 : i32
        %dma_start3A_251 = tpu.memref_slice %dma_start3A_248[%dma_start3A_239, %dma_start3A_249, %dma_start3A_250] : memref<2x5x80xi32, #tpu.memory_space<vmem>> -> memref<1x5x80xi32, #tpu.memory_space<vmem>>
        %dma_start3A_252 = tpu.memref_squeeze %dma_start3A_251 : memref<1x5x80xi32, #tpu.memory_space<vmem>> -> memref<5x80xi32, #tpu.memory_space<vmem>>
        %dma_start3A_253 = arith.constant 0 : i32
        %dma_start3A_254 = tpu.memref_slice %dma_start3A_252[%rem3A_221, %dma_start3A_253] : memref<5x80xi32, #tpu.memory_space<vmem>> -> memref<1x80xi32, #tpu.memory_space<vmem>>
        %dma_start3A_255 = tpu.memref_squeeze %dma_start3A_254 : memref<1x80xi32, #tpu.memory_space<vmem>> -> memref<80xi32, #tpu.memory_space<vmem>>
        %dma_start3A_256 = arith.constant 0 : i32
        %dma_start3A_257 = arith.constant 0 : i32
        %dma_start3A_258 = tpu.memref_slice %arg2[%dma_start3A_256, %dma_start3A_257] : memref<10000x128xf32, #tpu.memory_space<hbm>> -> memref<10000x128xf32, #tpu.memory_space<hbm>>
        tpu.enqueue_indirect_dma source(%dma_start3A_258 : memref<10000x128xf32, #tpu.memory_space<hbm>>) target(%dma_start3A_243 : memref<80x128xf32, #tpu.memory_space<vmem>>) offsets(%dma_start3A_255 : memref<80xi32, #tpu.memory_space<vmem>>) semaphore(%arg9 : memref<!tpu.dma_semaphore, #tpu.memory_space<semaphore_mem>>)
      } else {
      }
    }
    %scan3A_90 = arith.constant 125 : i32
    %dma_wait3A_91 = arith.constant 0 : i32
    %dma_wait3A_92 = arith.constant 0 : i32
    %dma_wait3A_93 = arith.constant 0 : i32
    %dma_wait3A_94 = tpu.memref_slice %arg7[%dma_wait3A_91, %dma_wait3A_92, %dma_wait3A_93] : memref<4x80x128xf32, #tpu.memory_space<vmem>> -> memref<1x80x128xf32, #tpu.memory_space<vmem>>
    %dma_wait3A_95 = tpu.memref_squeeze %dma_wait3A_94 : memref<1x80x128xf32, #tpu.memory_space<vmem>> -> memref<80x128xf32, #tpu.memory_space<vmem>>
    %dma_wait3A_96 = arith.constant 0 : i32
    %dma_wait3A_97 = arith.constant 0 : i32
    %dma_wait3A_98 = tpu.memref_slice %arg2[%dma_wait3A_96, %dma_wait3A_97] : memref<10000x128xf32, #tpu.memory_space<hbm>> -> memref<80x128xf32, #tpu.memory_space<hbm>>
    %dma_wait3A_99 = arith.constant 0 : i32
    %dma_wait3A_100 = arith.constant 0 : i32
    %dma_wait3A_101 = tpu.memref_slice %arg7[%dma_wait3A_91, %dma_wait3A_99, %dma_wait3A_100] : memref<4x80x128xf32, #tpu.memory_space<vmem>> -> memref<1x80x128xf32, #tpu.memory_space<vmem>>
    %dma_wait3A_102 = tpu.memref_squeeze %dma_wait3A_101 : memref<1x80x128xf32, #tpu.memory_space<vmem>> -> memref<80x128xf32, #tpu.memory_space<vmem>>
    %dma_wait3A_103 = arith.constant 0 : i32
    %dma_wait3A_104 = arith.constant 0 : i32
    %dma_wait3A_105 = tpu.memref_slice %arg2[%dma_wait3A_103, %dma_wait3A_104] : memref<10000x128xf32, #tpu.memory_space<hbm>> -> memref<80x128xf32, #tpu.memory_space<hbm>>
    tpu.wait_dma2 semaphore(%arg10 : memref<!tpu.dma_semaphore, #tpu.memory_space<semaphore_mem>>) src(%dma_wait3A_105 : memref<80x128xf32, #tpu.memory_space<hbm>>) dst(%dma_wait3A_102 : memref<80x128xf32, #tpu.memory_space<vmem>>)
    %dma_wait3A_106 = arith.constant 0 : i32
    %dma_wait3A_107 = arith.constant 0 : i32
    %dma_wait3A_108 = arith.constant 0 : i32
    %dma_wait3A_109 = tpu.memref_slice %arg7[%dma_wait3A_106, %dma_wait3A_107, %dma_wait3A_108] : memref<4x80x128xf32, #tpu.memory_space<vmem>> -> memref<1x80x128xf32, #tpu.memory_space<vmem>>
    %dma_wait3A_110 = tpu.memref_squeeze %dma_wait3A_109 : memref<1x80x128xf32, #tpu.memory_space<vmem>> -> memref<80x128xf32, #tpu.memory_space<vmem>>
    %dma_wait3A_111 = arith.constant 0 : i32
    %dma_wait3A_112 = arith.constant 0 : i32
    %dma_wait3A_113 = tpu.memref_slice %arg2[%dma_wait3A_111, %dma_wait3A_112] : memref<10000x128xf32, #tpu.memory_space<hbm>> -> memref<80x128xf32, #tpu.memory_space<hbm>>
    %dma_wait3A_114 = arith.constant 0 : i32
    %dma_wait3A_115 = arith.constant 0 : i32
    %dma_wait3A_116 = tpu.memref_slice %arg7[%dma_wait3A_106, %dma_wait3A_114, %dma_wait3A_115] : memref<4x80x128xf32, #tpu.memory_space<vmem>> -> memref<1x80x128xf32, #tpu.memory_space<vmem>>
    %dma_wait3A_117 = tpu.memref_squeeze %dma_wait3A_116 : memref<1x80x128xf32, #tpu.memory_space<vmem>> -> memref<80x128xf32, #tpu.memory_space<vmem>>
    %dma_wait3A_118 = arith.constant 0 : i32
    %dma_wait3A_119 = arith.constant 0 : i32
    %dma_wait3A_120 = tpu.memref_slice %arg2[%dma_wait3A_118, %dma_wait3A_119] : memref<10000x128xf32, #tpu.memory_space<hbm>> -> memref<80x128xf32, #tpu.memory_space<hbm>>
    tpu.wait_dma2 semaphore(%arg10 : memref<!tpu.dma_semaphore, #tpu.memory_space<semaphore_mem>>) src(%dma_wait3A_120 : memref<80x128xf32, #tpu.memory_space<hbm>>) dst(%dma_wait3A_117 : memref<80x128xf32, #tpu.memory_space<vmem>>)
    %barrier3A_121 = arith.constant 0 : index
    tpu.barrier barrier_id(%barrier3A_121)
    %mul3A_122 = arith.constant 632 : i32
    %mul3A_123 = arith.muli %arg1, %mul3A_122 : i32
    %mul3A_124 = arith.constant 632 : i32
    %mul3A_125 = arith.muli %arg1, %mul3A_124 : i32
    "tpu.region"() ({
      %run_scoped3A_126 = tpu.sem_alloc : memref<!tpu.dma_semaphore, #tpu.memory_space<semaphore_mem>>
      %dma_start3A_127 = arith.constant 0 : i32
      %dma_start3A_128 = arith.constant 0 : i32
      %dma_start3A_129 = tpu.memref_slice %arg5[%arg0, %dma_start3A_127, %dma_start3A_128] : memref<2x10112x128xf32, #tpu.memory_space<hbm>> -> memref<1x10112x128xf32, #tpu.memory_space<hbm>>
      %dma_start3A_130 = tpu.memref_squeeze %dma_start3A_129 : memref<1x10112x128xf32, #tpu.memory_space<hbm>> -> memref<10112x128xf32, #tpu.memory_space<hbm>>
      %dma_start3A_131 = arith.constant 0 : i32
      %dma_start3A_132 = tpu.memref_slice %dma_start3A_130[%mul3A_125, %dma_start3A_131] : memref<10112x128xf32, #tpu.memory_space<hbm>> -> memref<632x128xf32, #tpu.memory_space<hbm>>
      %dma_start3A_133 = arith.constant 0 : i32
      %dma_start3A_134 = tpu.memref_slice %arg8[%mul3A_123, %dma_start3A_133] : memref<10112x128xf32, #tpu.memory_space<vmem_shared>> -> memref<632x128xf32, #tpu.memory_space<vmem_shared>>
      tpu.enqueue_dma source(%dma_start3A_134 : memref<632x128xf32, #tpu.memory_space<vmem_shared>>) target(%dma_start3A_132 : memref<632x128xf32, #tpu.memory_space<hbm>>) target_semaphore(%run_scoped3A_126 : memref<!tpu.dma_semaphore, #tpu.memory_space<semaphore_mem>>)
      %dma_wait3A_135 = arith.constant 0 : i32
      %dma_wait3A_136 = arith.constant 0 : i32
      %dma_wait3A_137 = tpu.memref_slice %arg5[%arg0, %dma_wait3A_135, %dma_wait3A_136] : memref<2x10112x128xf32, #tpu.memory_space<hbm>> -> memref<1x10112x128xf32, #tpu.memory_space<hbm>>
      %dma_wait3A_138 = tpu.memref_squeeze %dma_wait3A_137 : memref<1x10112x128xf32, #tpu.memory_space<hbm>> -> memref<10112x128xf32, #tpu.memory_space<hbm>>
      %dma_wait3A_139 = arith.constant 0 : i32
      %dma_wait3A_140 = tpu.memref_slice %dma_wait3A_138[%mul3A_125, %dma_wait3A_139] : memref<10112x128xf32, #tpu.memory_space<hbm>> -> memref<632x128xf32, #tpu.memory_space<hbm>>
      %dma_wait3A_141 = arith.constant 0 : i32
      %dma_wait3A_142 = tpu.memref_slice %arg8[%mul3A_123, %dma_wait3A_141] : memref<10112x128xf32, #tpu.memory_space<vmem_shared>> -> memref<632x128xf32, #tpu.memory_space<vmem_shared>>
      tpu.wait_dma2 semaphore(%run_scoped3A_126 : memref<!tpu.dma_semaphore, #tpu.memory_space<semaphore_mem>>) src(%dma_wait3A_142 : memref<632x128xf32, #tpu.memory_space<vmem_shared>>) dst(%dma_wait3A_140 : memref<632x128xf32, #tpu.memory_space<hbm>>)
      tpu.yield
    }) : () -> ()
    return
  }
}

module attributes {stable_mosaic.version = 14 : i64} {
  func.func @_mm_body(%arg0: memref<10000x128xf32, #tpu.memory_space<vmem>>, %arg1: memref<128x128xf32, #tpu.memory_space<vmem>>, %arg2: memref<10000x128xf32, #tpu.memory_space<vmem>>) attributes {dimension_semantics = [], scalar_prefetch = 0 : i64, scratch_operands = 0 : i64, tpu.core_type = #tpu.core_type<tc>} {
    %get3A = arith.constant 0 : index
    %get3A_0 = arith.constant 0 : index
    %get3A_1 = vector.load %arg0[%get3A, %get3A_0] : memref<10000x128xf32, #tpu.memory_space<vmem>>, vector<10000x128xf32>
    %get3A_2 = arith.constant 0 : index
    %get3A_3 = arith.constant 0 : index
    %get3A_4 = vector.load %arg1[%get3A_2, %get3A_3] : memref<128x128xf32, #tpu.memory_space<vmem>>, vector<128x128xf32>
    %dot_general3A = arith.constant dense<0.000000e+00> : vector<10000x128xf32>
    %dot_general3A_5 = tpu.matmul %get3A_1, %get3A_4, %dot_general3A {dimension_numbers = #tpu.dot_dimension_numbers<[1], [1], [0], [0], [0, 0, 1, 0], [], []>, transpose_lhs_hint = false} : vector<10000x128xf32>, vector<128x128xf32>, vector<10000x128xf32> -> vector<10000x128xf32>
    %swap3A = arith.constant 0 : index
    %swap3A_6 = arith.constant 0 : index
    %swap3A_7 = vector.load %arg2[%swap3A, %swap3A_6] : memref<10000x128xf32, #tpu.memory_space<vmem>>, vector<10000x128xf32>
    tpu.vector_store %arg2[%swap3A, %swap3A_6], %dot_general3A_5 {strides = array<i32>} : memref<10000x128xf32, #tpu.memory_space<vmem>>, vector<10000x128xf32>,
    return
  }
}

module attributes {stable_mosaic.version = 14 : i64} {
  func.func @_prep_body(%arg0: memref<2x10240xf32, #tpu.memory_space<vmem>>, %arg1: memref<10000x128xf32, #tpu.memory_space<vmem>>, %arg2: memref<10000x128xf32, #tpu.memory_space<vmem>>, %arg3: memref<10000x1xf32, #tpu.memory_space<vmem>>) attributes {dimension_semantics = [], scalar_prefetch = 0 : i64, scratch_operands = 0 : i64, tpu.core_type = #tpu.core_type<tc>} {
    %get3A = arith.constant 0 : index
    %get3A_0 = arith.constant 0 : index
    %get3A_1 = vector.load %arg0[%get3A, %get3A_0] : memref<2x10240xf32, #tpu.memory_space<vmem>>, vector<1x10000xf32>
    %get3A_2 = vector.shape_cast %get3A_1 : vector<1x10000xf32> to vector<10000xf32>
    %get3A_3 = arith.constant 1 : index
    %get3A_4 = arith.constant 0 : index
    %get3A_5 = vector.load %arg0[%get3A_3, %get3A_4] : memref<2x10240xf32, #tpu.memory_space<vmem>>, vector<1x10000xf32>
    %get3A_6 = vector.shape_cast %get3A_5 : vector<1x10000xf32> to vector<10000xf32>
    %add3A = arith.addf %get3A_2, %get3A_6 : vector<10000xf32>
    %add3A_7 = arith.constant 1.000000e+00 : f32
    %add3A_8 = vector.broadcast %add3A_7 : f32 to vector<10000xf32>
    %add3A_9 = arith.addf %add3A, %add3A_8 : vector<10000xf32>
    %rsqrt3A = math.rsqrt %add3A_9 : vector<10000xf32>
    %broadcast_in_dim3A = vector.shape_cast %rsqrt3A : vector<10000xf32> to vector<10000x1xf32>
    %swap3A = arith.constant 0 : index
    %swap3A_10 = arith.constant 0 : index
    %swap3A_11 = vector.load %arg3[%swap3A, %swap3A_10] : memref<10000x1xf32, #tpu.memory_space<vmem>>, vector<10000x1xf32>
    tpu.vector_store %arg3[%swap3A, %swap3A_10], %broadcast_in_dim3A {strides = array<i32>} : memref<10000x1xf32, #tpu.memory_space<vmem>>, vector<10000x1xf32>,
    %get3A_12 = arith.constant 0 : index
    %get3A_13 = arith.constant 0 : index
    %get3A_14 = vector.load %arg1[%get3A_12, %get3A_13] : memref<10000x128xf32, #tpu.memory_space<vmem>>, vector<10000x128xf32>
    %mul3A = vector.broadcast %broadcast_in_dim3A : vector<10000x1xf32> to vector<10000x128xf32>
    %mul3A_15 = arith.mulf %get3A_14, %mul3A : vector<10000x128xf32>
    %swap3A_16 = arith.constant 0 : index
    %swap3A_17 = arith.constant 0 : index
    %swap3A_18 = vector.load %arg2[%swap3A_16, %swap3A_17] : memref<10000x128xf32, #tpu.memory_space<vmem>>, vector<10000x128xf32>
    tpu.vector_store %arg2[%swap3A_16, %swap3A_17], %mul3A_15 {strides = array<i32>} : memref<10000x128xf32, #tpu.memory_space<vmem>>, vector<10000x128xf32>,
    return
  }
}

module attributes {stable_mosaic.version = 14 : i64} {
  func.func @_mid_body(%arg0: memref<2x10112x128xf32, #tpu.memory_space<vmem>>, %arg1: memref<10000x128xf32, #tpu.memory_space<vmem>>, %arg2: memref<10000x1xf32, #tpu.memory_space<vmem>>, %arg3: memref<10000x128xf32, #tpu.memory_space<vmem>>) attributes {dimension_semantics = [], scalar_prefetch = 0 : i64, scratch_operands = 0 : i64, tpu.core_type = #tpu.core_type<tc>} {
    %get3A = arith.constant 0 : index
    %get3A_0 = arith.constant 0 : index
    %get3A_1 = vector.load %arg2[%get3A, %get3A_0] : memref<10000x1xf32, #tpu.memory_space<vmem>>, vector<10000x1xf32>
    %get3A_2 = arith.constant 0 : index
    %get3A_3 = arith.constant 0 : index
    %get3A_4 = arith.constant 0 : index
    %get3A_5 = vector.load %arg0[%get3A_2, %get3A_3, %get3A_4] : memref<2x10112x128xf32, #tpu.memory_space<vmem>>, vector<1x10000x128xf32>
    %get3A_6 = vector.shape_cast %get3A_5 : vector<1x10000x128xf32> to vector<10000x128xf32>
    %get3A_7 = arith.constant 1 : index
    %get3A_8 = arith.constant 0 : index
    %get3A_9 = arith.constant 0 : index
    %get3A_10 = vector.load %arg0[%get3A_7, %get3A_8, %get3A_9] : memref<2x10112x128xf32, #tpu.memory_space<vmem>>, vector<1x10000x128xf32>
    %get3A_11 = vector.shape_cast %get3A_10 : vector<1x10000x128xf32> to vector<10000x128xf32>
    %add3A = arith.addf %get3A_6, %get3A_11 : vector<10000x128xf32>
    %get3A_12 = arith.constant 0 : index
    %get3A_13 = arith.constant 0 : index
    %get3A_14 = vector.load %arg1[%get3A_12, %get3A_13] : memref<10000x128xf32, #tpu.memory_space<vmem>>, vector<10000x128xf32>
    %add3A_15 = arith.addf %add3A, %get3A_14 : vector<10000x128xf32>
    %mul3A = arith.mulf %get3A_1, %get3A_1 : vector<10000x1xf32>
    %mul3A_16 = vector.broadcast %mul3A : vector<10000x1xf32> to vector<10000x128xf32>
    %mul3A_17 = arith.mulf %add3A_15, %mul3A_16 : vector<10000x128xf32>
    %swap3A = arith.constant 0 : index
    %swap3A_18 = arith.constant 0 : index
    %swap3A_19 = vector.load %arg3[%swap3A, %swap3A_18] : memref<10000x128xf32, #tpu.memory_space<vmem>>, vector<10000x128xf32>
    tpu.vector_store %arg3[%swap3A, %swap3A_18], %mul3A_17 {strides = array<i32>} : memref<10000x128xf32, #tpu.memory_space<vmem>>, vector<10000x128xf32>,
    return
  }
}

module attributes {stable_mosaic.version = 14 : i64} {
  func.func @_out_body(%arg0: memref<2x10112x128xf32, #tpu.memory_space<vmem>>, %arg1: memref<10000x128xf32, #tpu.memory_space<vmem>>, %arg2: memref<10000x1xf32, #tpu.memory_space<vmem>>, %arg3: memref<1x128xf32, #tpu.memory_space<vmem>>, %arg4: memref<10000x128xf32, #tpu.memory_space<vmem>>) attributes {dimension_semantics = [], scalar_prefetch = 0 : i64, scratch_operands = 0 : i64, tpu.core_type = #tpu.core_type<tc>} {
    %get3A = arith.constant 0 : index
    %get3A_0 = arith.constant 0 : index
    %get3A_1 = arith.constant 0 : index
    %get3A_2 = vector.load %arg0[%get3A, %get3A_0, %get3A_1] : memref<2x10112x128xf32, #tpu.memory_space<vmem>>, vector<1x10000x128xf32>
    %get3A_3 = vector.shape_cast %get3A_2 : vector<1x10000x128xf32> to vector<10000x128xf32>
    %get3A_4 = arith.constant 1 : index
    %get3A_5 = arith.constant 0 : index
    %get3A_6 = arith.constant 0 : index
    %get3A_7 = vector.load %arg0[%get3A_4, %get3A_5, %get3A_6] : memref<2x10112x128xf32, #tpu.memory_space<vmem>>, vector<1x10000x128xf32>
    %get3A_8 = vector.shape_cast %get3A_7 : vector<1x10000x128xf32> to vector<10000x128xf32>
    %add3A = arith.addf %get3A_3, %get3A_8 : vector<10000x128xf32>
    %get3A_9 = arith.constant 0 : index
    %get3A_10 = arith.constant 0 : index
    %get3A_11 = vector.load %arg1[%get3A_9, %get3A_10] : memref<10000x128xf32, #tpu.memory_space<vmem>>, vector<10000x128xf32>
    %add3A_12 = arith.addf %add3A, %get3A_11 : vector<10000x128xf32>
    %get3A_13 = arith.constant 0 : index
    %get3A_14 = arith.constant 0 : index
    %get3A_15 = vector.load %arg2[%get3A_13, %get3A_14] : memref<10000x1xf32, #tpu.memory_space<vmem>>, vector<10000x1xf32>
    %mul3A = vector.broadcast %get3A_15 : vector<10000x1xf32> to vector<10000x128xf32>
    %mul3A_16 = arith.mulf %add3A_12, %mul3A : vector<10000x128xf32>
    %get3A_17 = arith.constant 0 : index
    %get3A_18 = arith.constant 0 : index
    %get3A_19 = vector.load %arg3[%get3A_17, %get3A_18] : memref<1x128xf32, #tpu.memory_space<vmem>>, vector<1x128xf32>
    %add3A_20 = vector.broadcast %get3A_19 : vector<1x128xf32> to vector<10000x128xf32>
    %add3A_21 = arith.addf %mul3A_16, %add3A_20 : vector<10000x128xf32>
    %swap3A = arith.constant 0 : index
    %swap3A_22 = arith.constant 0 : index
    %swap3A_23 = vector.load %arg4[%swap3A, %swap3A_22] : memref<10000x128xf32, #tpu.memory_space<vmem>>, vector<10000x128xf32>
    tpu.vector_store %arg4[%swap3A, %swap3A_22], %add3A_21 {strides = array<i32>} : memref<10000x128xf32, #tpu.memory_space<vmem>>, vector<10000x128xf32>,
    return
  }
}

</mosaic_0001>

<sc_bundles>
// kernel: _run.12.cloned.1.call-start
scs
__scs_entry_jumppad:
0x0: {  	(pc) =	sbr.rel $0x88, $3  }
0x1: {  	(tag) =	ssettag $0x0;
	lr =	simm.s32 $0x1  }
0x2: {  	[smem:$0x3F9C] =	sst lr;
	_ =	strace $0xD0000000  }
0x3: {  	_ = 	snop  }
0x4: {  	_ = 	snop  }
0x5: {  	_ = 	snop  }
0x6: {  	_ = 	snop  }
0x7: {  	_ = 	snop  }
__scs_overlays_trampoline_lowered:
0x8: {  	[smem:$0x3FAB] =	sst s0  }
0x9: {  	[smem:$0x3FAC] =	sst s1  }
0xa: {  	[smem:$0x3FAD] =	sst s2  }
0xb: {  	[smem:$0x3FAE] =	sst s3  }
0xc: {  	[smem:$0x3FAF] =	sst s4  }
0xd: {  	[smem:$0x3FB0] =	sst s5  }
0xe: {  	[smem:$0x3FB1] =	sst s6  }
0xf: {  	[smem:$0x3FB2] =	sst s7  }
0x10: {  	[smem:$0x3FB3] =	sst s8  }
0x11: {  	[smem:$0x3FB4] =	sst s9;
	s0 =	simm.s32 @!p0 $0x0  }
0x12: {  	s1 =	sld [smem:$0x3F9A];
	s0 =	simm.s32 @p0 $0x1  }
0x13: {  	[smem:$0x3FB5] =	sst s0;
	s0 =	simm.s32 @!p1 $0x0  }
0x14: {  	s2 =	sld [smem:$0x3F99];
	s0 =	simm.s32 @p1 $0x1  }
0x15: {  	[smem:$0x3FB6] =	sst s0;
	s0 =	simm.s32 @!p2 $0x0  }
0x16: {  	s3 =	sld [smem:$0x3FDB];
	s0 =	simm.s32 @p2 $0x1  }
0x17: {  	s4 =	simm.s32 $0x1BF5;
	[smem:$0x3FB8] =	sst s0  }
0x18: {  	s0 =	sld [smem:$0x3F9B];
	_ =	swait.ge [sflag:s4], $0x0  }
0x19: {  	s7 =	sld [smem:$0x3F9C]  }
0x1a: {  	s8 =	sadd.s32 $0xFFFFE003, lr  }
0x1b: {  	s9 =	sadd.s32 $0xFFFFFEF7, lr;
	s5 =	simm.s32 $0xFFFFFFFF;
	p2 =	slt.u32 s8, $0xFFFFF086  }
0x1c: {  	p1 =	slt.u32 s9, $0xF7A;
	s5 =	simm.s32 @!p2 $0x0  }
0x1d: {  	s5 =	simm.s32 @p1 $0x1;
	p0 =	seq.s32 s7, s2  }
0x1e: {  	s7 =	smul.u32 @!p0 $0xF7A, s2;
	p2 =	seq.s32 @!p0 s5, $0x0  }
0x1f: {  	s9 =	smul.u32 $0xF7A, s1;
	s8 =	simm.s32 @!p0 $0x1BF5;
	p2 =	por !p2, p0  }
0x20: {  	[sflag:s8] =	ssyncset.s32 @!p0 $0xFFFFF086;
	s6 =	sadd.s32 @!p0 s3, s7;
	s7 =	simm.s32 @!p0 $0x108  }
0x21: {  	s3 =	sadd.s32 s3, s9;
	s6 =	sadd.s32 @!p0 $0x88, s6;
	s7 =	simm.s32 @p2 $0x1082  }
0x22: {  	[simem:s7], [sflag:s8] =	dma.local @!p0 [hbm:s6], $0xF7A  }
0x23: {  	s9 =	sor.u32 $0xD0000000, s2;
	s6 =	simm.s32 $0x108;
	_ =	swait.ge @!p0 [sflag:s8], $0x0  }
0x24: {  	s3 =	sadd.s32 $0x88, s3;
	s6 =	simm.s32 @!p1 $0x1082;
	[sflag:s4] =	ssyncset.s32 $0xFFFFF086  }
0x25: {  	[simem:s6], [sflag:s4] =	dma.local [hbm:s3], $0xF7A  }
0x26: {  	[smem:$0x3F9C] =	sst s1;
	(tag) =	ssettag s2;
	_ =	strace s9  }
0x27: {  	s1 =	sld [smem:$0x3FAC]  }
0x28: {  	s2 =	sld [smem:$0x3FAD]  }
0x29: {  	s4 =	sld [smem:$0x3FAF]  }
0x2a: {  	p0 =	seq.s32 s5, $0x0;
	s5 =	sld [smem:$0x3FB0]  }
0x2b: {  	s6 =	sld [smem:$0x3FB1]  }
0x2c: {  	s7 =	sld [smem:$0x3FB2]  }
0x2d: {  	s3 =	simm.s32 $0x108;
	s8 =	sld [smem:$0x3FB3]  }
0x2e: {  	s3 =	simm.s32 @!p0 $0x1082;
	s9 =	sld [smem:$0x3FB4]  }
0x2f: {  	lr =	sadd.s32 s0, s3;
	s0 =	sld [smem:$0x3FAB]  }
0x30: {  	s3 =	sld [smem:$0x3FAE]  }
0x31: {  	[smem:$0x3FB7] =	sst s10  }
0x32: {  	s10 =	sld [smem:$0x3FB5];
	_ =	sdelay $0x3  }
0x33: {  	p0 =	seq.s32 s10, $0x1;
	s10 =	sld [smem:$0x3FB7];
	_ =	sdelay $0x3  }
0x34: {  	[smem:$0x3FB7] =	sst s10  }
0x35: {  	s10 =	sld [smem:$0x3FB6];
	_ =	sdelay $0x3  }
0x36: {  	p1 =	seq.s32 s10, $0x1;
	s10 =	sld [smem:$0x3FB7];
	_ =	sdelay $0x3  }
0x37: {  	[smem:$0x3FB7] =	sst s10  }
0x38: {  	s10 =	sld [smem:$0x3FB8]  }
0x39: {  	_ = 	snop;
	(pc) =	sbr.ind lr, $3  }
0x3a: {  	_ = 	snop  }
0x3b: {  	_ = 	snop  }
0x3c: {  	p2 =	seq.s32 s10, $0x1;
	s10 =	sld [smem:$0x3FB7]  }
0x3d: {  	_ =	shalt  }
0x3e: {  	_ =	shalt  }
0x3f: {  	_ =	shalt  }
0x40: {  	_ =	shalt  }
0x41: {  	_ =	shalt  }
0x42: {  	_ =	shalt  }
0x43: {  	_ =	shalt  }
0x44: {  	_ =	shalt  }
0x45: {  	_ =	shalt  }
0x46: {  	_ =	shalt  }
0x47: {  	_ =	shalt  }
0x48: {  	_ =	shalt  }
0x49: {  	_ =	shalt  }
0x4a: {  	_ =	shalt  }
0x4b: {  	_ =	shalt  }
0x4c: {  	_ =	shalt  }
0x4d: {  	_ =	shalt  }
0x4e: {  	_ =	shalt  }
0x4f: {  	_ =	shalt  }
0x50: {  	_ =	shalt  }
0x51: {  	_ =	shalt  }
0x52: {  	_ =	shalt  }
0x53: {  	_ =	shalt  }
0x54: {  	_ =	shalt  }
0x55: {  	_ =	shalt  }
0x56: {  	_ =	shalt  }
0x57: {  	_ =	shalt  }
0x58: {  	_ =	shalt  }
0x59: {  	_ =	shalt  }
0x5a: {  	_ =	shalt  }
0x5b: {  	_ =	shalt  }
0x5c: {  	_ =	shalt  }
0x5d: {  	_ =	shalt  }
0x5e: {  	_ =	shalt  }
0x5f: {  	_ =	shalt  }
0x60: {  	_ =	shalt  }
0x61: {  	_ =	shalt  }
0x62: {  	_ =	shalt  }
0x63: {  	_ =	shalt  }
0x64: {  	_ =	shalt  }
0x65: {  	_ =	shalt  }
0x66: {  	_ =	shalt  }
0x67: {  	_ =	shalt  }
0x68: {  	_ =	shalt  }
0x69: {  	_ =	shalt  }
0x6a: {  	_ =	shalt  }
0x6b: {  	_ =	shalt  }
0x6c: {  	_ =	shalt  }
0x6d: {  	_ =	shalt  }
0x6e: {  	_ =	shalt  }
0x6f: {  	_ =	shalt  }
0x70: {  	_ =	shalt  }
0x71: {  	_ =	shalt  }
0x72: {  	_ =	shalt  }
0x73: {  	_ =	shalt  }
0x74: {  	_ =	shalt  }
0x75: {  	_ =	shalt  }
0x76: {  	_ =	shalt  }
0x77: {  	_ =	shalt  }
0x78: {  	_ =	shalt  }
0x79: {  	_ =	shalt  }
0x7a: {  	_ =	shalt  }
0x7b: {  	_ =	shalt  }
0x7c: {  	_ =	shalt  }
0x7d: {  	_ =	shalt  }
0x7e: {  	_ =	shalt  }
0x7f: {  	_ =	shalt  }
0x80: {  	_ =	shalt  }
0x81: {  	_ =	shalt  }
0x82: {  	_ =	shalt  }
0x83: {  	_ =	shalt  }
0x84: {  	_ =	shalt  }
0x85: {  	_ =	shalt  }
0x86: {  	_ =	shalt  }
0x87: {  	_ =	shalt  }
.Lfunc_end0:
.L_simem_size_0:
called_computation.1_lowered:
.L_overlay_start_0:
0x88: {  	s2 =	sld [smem:$0x3FD9]  }
0x89: {  	s3 =	sld [smem:$0x3FFE];
	_ =	sdelay $0x1  }
0x8a: {  	s1 =	srdreg.scid  }
0x8b: {  	s0 =	sand.u32 $0x1, s1  }
0x8c: {  	s17 =	sshll.u32 s0, $0xA;
	s2 =	sadd.s32 s3, s2  }
0x8d: {  	s2 =	sadd.s32 s2, s17  }
0x8e: {  	[smem:$0x3FC3] =	sst s2  }
0x8f: {  	_ = 	snop  }
0x90: {  	s2 =	sld [smem:$0x3FD0];
	(tm) =	ssettm $0x1  }
0x91: {  	s18 =	sld [smem:$0x3FFB];
	_ =	sdelay $0x3  }
0x92: {  	_ =	strace s18  }
0x93: {  	s3 =	sld [smem:$0x3FFC];
	_ =	sdelay $0x3  }
0x94: {  	_ =	strace s3  }
0x95: {  	s3 =	sld [smem:$0x3FFD];
	_ =	sdelay $0x3  }
0x96: {  	_ =	strace s3  }
0x97: {  	_ =	strace $0x8FFFFFFF  }
0x98: {  	s19 =	sld [smem:$0x3FDB];
	_ =	sdelay $0x1  }
0x99: {  	s4 =	simm.s32 $_scs_section_size  }
0x9a: {  	s5 =	simm.s32 $_size__tile_overlayer_lowered;
	s6 =	simm.s32 $_tile_overlayer_lowered  }
0x9b: {  	s22 =	simm.s32 $0x1BFF;
	s21 =	sshll.u32 s6, $0x1;
	s3 =	sadd.s32 s4, s19  }
0x9c: {  	s7 =	simm.s32 $0x0;
	s20 =	sshll.u32 s5, $0x1;
	s5 =	sadd.s32 s21, s3  }
0x9d: {  	[timem:s7], [sflag:s22] =	dma.local [hbm:s5], s20  }
0x9e: {  	_ =	swait.ge [sflag:s22], s20  }
0x9f: {  	s4 =	ssub.s32 $0x0, s20;
	[sflag:s22] =	ssyncset.done $0x0  }
0xa0: {  	[sflag:s22] =	ssyncadd.s32 s4;
	_ =	sdelay $0x1  }
0xa1: {  	s23 =	simm.s32 $0x1B8B  }
0xa2: {  	_ =	swait.ge [sflag:s23], $0x1  }
0xa3: {  	[sflag:s23] =	ssyncset.done $0x0  }
0xa4: {  	s25 =	simm.s32 $0x1B8E;
	s24 =	sld [smem:$0x3FFE];
	[sflag:s23] =	ssyncadd.s32 $0xFFFFFFFF  }
0xa5: {  	s26 =	simm.s32 $execute0_lowered;
	[smem:$0x3FD2] =	sst s25  }
0xa6: {  	s5 =	sshll.u32 s26, $0x1;
	_ =	strace $0x80000049;
	[dreg:$0x1] =	wrdreg $0xFFFFFFFF  }
0xa7: {  	s28 =	simm.s32 $_size_execute0_lowered;
	s3 =	sadd.s32 s3, s5;
	[dreg:$0x0] =	wrdreg $0x0  }
0xa8: {  	s5 =	sshll.u32 s28, $0x1;
	[dreg:$0x2] =	wrdreg s3  }
0xa9: {  	[dreg:$0x3] =	wrdreg s5  }
0xaa: {  	[dreg:$0x4] =	wrdreg $0xC0  }
0xab: {  	_ =	task [dreg:s7], $0x5FFFF  }
0xac: {  	[dreg:$0x1] =	wrdreg $0xFFFFFFFF  }
0xad: {  	[dreg:$0x0] =	wrdreg $0x60  }
0xae: {  	[dreg:$0x2] =	wrdreg s2  }
0xaf: {  	[dreg:$0x3] =	wrdreg s24  }
0xb0: {  	[dreg:$0x4] =	wrdreg $0xB8000  }
0xb1: {  	[dreg:$0x5] =	wrdreg $0x9  }
0xb2: {  	_ =	task.clear_ibuf [dreg:s7], $0x6FFFF;
	_ =	strace $0x90000049  }
0xb3: {  	s29 =	simm.s32 $0x9;
	_ =	strace $0x8000004B  }
0xb4: {  	_ =	swait.ge [sflag:s29], $0x1  }
0xb5: {  	[sflag:s29] =	ssyncadd.s32 $0xFFFFFFFF  }
0xb6: {  	_ =	strace $0x9000004B  }
0xb7: {  	_ =	sfence  }
0xb8: {  	s30 =	sld [smem:$0x0];
	_ =	sdelay $0x2  }
0xb9: {  	s31 =	sshll.u32 s1, $0xD;
	s1 =	sshrl.u32 s1, $0x2  }
0xba: {  	s3 =	sand.u32 $0x4000, s31;
	s1 =	sadd.s32 s1, s30  }
0xbb: {  	s0 =	sor.u32 s3, s0;
	s1 =	sshll.u32 s1, $0x11  }
0xbc: {  	s0 =	sor.u32 s1, s0  }
0xbd: {  	s0 =	sadd.s32 $0x8F2B, s0  }
0xbe: {  	[sflag:s0] =	ssyncadd.remote.s32 $0x1  }
0xbf: {  	_ =	sfence.sel $0xFFFF  }
0xc0: {  	[dreg:$0x0] =	wrdreg $0xFFFFFFFF;
	(pc) =	sbr.abs _section_cstart, $3  }
0xc1: {  	[dreg:$0x1] =	wrdreg $0xFFFFFFFF  }
0xc2: {  	_ =	task.clear_ibuf [dreg:s7], $0x2FFFF;
	_ =	strace $0x9FFFFFFF  }
0xc3: {  	(tm) =	ssettm $0x7FFFFFFF  }
tec
execute0_lowered:
.L_overlay_start_1:
0x0: {  	(tag) =	ssettag $0x1  }
0x1: {  	s1 =	rddreg [dreg:$0x0]  }
0x2: {  	s2 =	srdreg.scid;
	s6 =	rddreg [dreg:$0x1]  }
0x3: {  	s0 =	stileid.u32;
	s3 =	rddreg [dreg:$0x2];
	s4 =	simm.s32 $0x0  }
0x4: {  	s13 =	simm.s32 $0x4;
	s18 =	simm.s32 $0x50;
	s20 =	simm.s32 $0x80  }
0x5: {  	s21 =	simm.s32 $0x4000;
	s22 =	simm.s32 $0x1;
	s23 =	simm.s32 $0x3  }
0x6: {  	s26 =	simm.s32 $0x0;
	s7 =	sand.u32 $0x1, s2;
	s10 =	smul.u32 $0x4F000, s0  }
0x7: {  	s30 =	sshll.u32 s0, $0x1;
	[smem:$0x7FF] =	sst s4;
	s25 =	smul.u32 $0x2780, s0  }
0x8: {  	s5 =	sor.u32 s7, s30;
	s8 =	smul.u32 $0x27800, s7;
	s7 =	ssub.s32 $0x2, s7  }
0x9: {  	_ =	strace $0x8000004A;
	s5 =	smul.u32 $0x1900, s5;
	s31 =	sshrl.u32 s7, $0x1  }
0xa: {  	s10 =	sshrl.u32 s10, $0x2;
	s11 =	sadd.s32 s8, s6;
	s12 =	ssub.s32 s7, s31  }
.Ltmp0:
0xb: {  	s10 =	sadd.s32 s10, s3;
	s9 =	sadd.s32 s5, s6;
	(pc) =	sbr.rel .LBB2_1-.Ltmp0, $4  }
0xc: {  	s5 =	sadd.s32 $0x34800, s6;
	s6 =	sshll.u32 s0, $0x6;
	s24 =	sadd.s32 $0x37000, s11  }
0xd: {  	s10 =	sshrl.u32 s10, $0x3;
	s7 =	sor.u32 $0x1C02, s6;
	s8 =	sadd.s32 $0x2800, s9  }
0xe: {  	s9 =	smax.u32 s12, $0x1;
	s24 =	sadd.s32 s25, s24;
	s25 =	simm.s32 $0x2  }
0xf: {  	s11 =	sadd.s32 $0x80, s8;
	s14 =	sadd.s32 $0x100, s8;
	s16 =	sadd.s32 $0x180, s8  }
.LBB2_7:
0x10: {  	_ =	swait.ge [sflag:s25], $0x2800  }
0x11: {  	[sflag:s25] =	ssyncset.done $0x0  }
0x12: {  	[sflag:s25] =	ssyncadd.s32 $0xFFFFD800  }
0x13: {  	_ =	swait.ge [sflag:s25], $0x2800  }
0x14: {  	s26 =	sadd.s32 $0x1, s26;
	[sflag:s25] =	ssyncset.done $0x0  }
0x15: {  	p0 =	sne.s32 s26, s9;
	[sflag:s25] =	ssyncadd.s32 $0xFFFFD800  }
.Ltmp1:
0x16: {  	s0 =	sor.u32 $0x1C04, s6;
	[bflag:$0x0] =	sbarrier.arrive $0xFFFF;
	(pc) =	sbr.rel @!p0 .LBB2_8-.Ltmp1, $4  }
0x17: {  	[hbm:s24], [sflag:s0] =	dma.local [spmem:s10], $0x2780  }
0x18: {  	_ =	swait.ge [sflag:s13], $0x2780  }
0x19: {  	[sflag:s13] =	ssyncset.done $0x0  }
0x1a: {  	[sflag:s13] =	ssyncadd.s32 $0xFFFFD880  }
.LBB2_1:
0x1b: {  	[spmem:s10], [sflag:s7] =	dma.local [hbm:s5], $0x2780  }
0x1c: {  	[tilespmem:s4], [sflag:$0x4] =	stream.linear.gather [hbm4b:s8+s4], $0x280, $0x38;
	[tilespmem:$0x1F400] =	vst v63  }
0x1d: {  	s0 =	simm.s32 $0x400  }
0x1e: {  	[tilespmem:s0], [sflag:$0x4] =	stream.linear.gather [hbm4b:s11+s4], $0x280, $0x38;
	[tilespmem:$0x1F400] =	vst v63  }
0x1f: {  	_ =	swait.ge [sflag:s13], $0x500  }
0x20: {  	[sflag:s13] =	ssyncset.done $0x0  }
0x21: {  	s17 =	simm.s32 $0x800;
	[sflag:s13] =	ssyncadd.s32 $0xFFFFFB00  }
0x22: {  	[tilespmem:s17], [sflag:$0x3] =	stream.linear.gather [hbm4b:s14+s4], $0x280, $0x38;
	[tilespmem:$0x1F400] =	vst v63  }
0x23: {  	s19 =	simm.s32 $0xC00  }
0x24: {  	[tilespmem:s19], [sflag:$0x3] =	stream.linear.gather [hbm4b:s16+s4], $0x280, $0x38;
	[tilespmem:$0x1F400] =	vst v63  }
0x25: {  	s31 =	simm.s32 $0x1800  }
0x26: {  	[tilespmem:s31], [sflag:$0x1] =	stream.indirect.gather [hbm4b:s1+s18], $0x80, s4, s18, $0xb8;
	[tilespmem:$0x1F400] =	vst v63  }
0x27: {  	_ = 	snop  }
0x28: {  	[tilespmem:s21], [sflag:$0x1] =	stream.indirect.gather [hbm4b:s1+s18], $0x80, s20, s18, $0xb8;
	[tilespmem:$0x1F400] =	vst v63  }
.Ltmp2:
0x29: {  	_ =	swait.ge [sflag:s25], $0x2780;
	(pc) =	sbr.rel .LBB2_2-.Ltmp2, $4  }
0x2a: {  	[sflag:s25] =	ssyncset.done $0x0  }
0x2b: {  	[sflag:s25] =	ssyncadd.s32 $0xFFFFD880  }
0x2c: {  	[bflag:$0x0] =	sbarrier.arrive $0xFFFF  }
0x2d: {  	s28 =	simm.s32 $0x100;
	s29 =	simm.s32 $0x2;
	s30 =	simm.s32 $0x0  }
.LBB2_3:
0x2e: {  	_ =	swait.ge [sflag:s23], $0x500  }
0x2f: {  	[sflag:s23] =	ssyncset.done $0x0  }
0x30: {  	[sflag:s23] =	ssyncadd.s32 $0xFFFFFB00  }
.LBB2_5:
0x31: {  	s0 =	smulhi.u32 $0x88888889, s29;
	_ =	sdelay $0x1  }
0x32: {  	s2 =	smul.u32 $0x1600, s31;
	s12 =	sadd.s32 $0x2, s30;
	s0 =	sshrl.u32 s0, $0x3  }
0x33: {  	s12 =	sand.u32 $0x3, s12;
	s0 =	smul.u32 $0x6000, s0  }
0x34: {  	s12 =	smul.u32 $0xA000, s12  }
0x35: {  	s0 =	ssub.s32 s2, s0  }
0x36: {  	s31 =	sshrl.u32 s12, $0x2;
	s0 =	sshra.s32 s0, $0x2  }
0x37: {  	s2 =	sadd.s32 $0x1800, s31;
	s0 =	sadd.s32 s0, s28  }
0x38: {  	[tilespmem:s2], [sflag:$0x1] =	stream.indirect.gather [hbm4b:s1+s18], $0x80, s0, s18, $0xb8;
	[tilespmem:$0x1F400] =	vst v63  }
.LBB2_6:
0x39: {  	s30 =	sadd.s32 $0x1, s30  }
0x3a: {  	p0 =	sne.s32 s30, $0x7D  }
.Ltmp3:
0x3b: {  	_ = 	snop;
	(pc) =	sbr.rel @!p0 .LBB2_7-.Ltmp3, $2  }
0x3c: {  	_ =	sdelay $0x2  }
0x3d: {  	s29 =	sadd.s32 $0x1, s29;
	s28 =	sadd.s32 $0x80, s28  }
.LBB2_2:
0x3e: {  	s31 =	smul.u32 $0xCD, s30;
	_ =	sdelay $0x1  }
0x3f: {  	s31 =	sshrl.u32 s31, $0xA  }
0x40: {  	s31 =	sand.u32 $0x3F, s31  }
0x41: {  	s2 =	smul.u32 $0x5, s31;
	_ =	sdelay $0x1  }
0x42: {  	p0 =	sgt.u32 s30, $0x72;
	s2 =	ssub.s32 s30, s2  }
0x43: {  	s0 =	sand.u32 @!p0 $0xFF, s2  }
0x44: {  	p1 =	sne.s32 @!p0 s0, $0x2  }
0x45: {  	p0 =	por p1, p0  }
0x46: {  	s12 =	sadd.s32 @!p0 $0x2, s31  }
0x47: {  	s15 =	smul.u32 @!p0 $0x56, s12  }
0x48: {  	s19 =	smul.u32 $0x56, s31  }
0x49: {  	s15 =	sshrl.u32 @!p0 s15, $0x8  }
0x4a: {  	_ =	swait.ge [sflag:s22], $0x2800;
	s0 =	sshrl.u32 s19, $0x8;
	s15 =	smul.u32 @!p0 $0x3, s15  }
0x4b: {  	[sflag:s22] =	ssyncset.done $0x0;
	s0 =	smul.u32 $0x3, s0  }
0x4c: {  	s17 =	smulhi.u32 $0xCCCCCCCD, s29;
	[sflag:s22] =	ssyncadd.s32 $0xFFFFD800;
	s15 =	ssub.s32 @!p0 s12, s15  }
0x4d: {  	s0 =	ssub.s32 s31, s0;
	s12 =	sshll.u32 @!p0 s12, $0x8;
	s15 =	sand.u32 @!p0 $0xFF, s15  }
0x4e: {  	s31 =	simm.s32 @!p0 $0x0;
	s12 =	sadd.s32 @!p0 s8, s12;
	s15 =	sshll.u32 @!p0 s15, $0xB  }
0x4f: {  	[tilespmem:s15], [sflag:$0x3] =	stream.linear.gather @!p0 [hbm4b:s12+s31], $0x280, $0x38;
	[tilespmem:$0x1F400] =	vst v63  }
0x50: {  	s19 =	sand.u32 $0x3, s30;
	s12 =	sadd.s32 @!p0 $0x80, s12;
	s15 =	sor.u32 @!p0 $0x400, s15  }
0x51: {  	[tilespmem:s15], [sflag:$0x3] =	stream.linear.gather @!p0 [hbm4b:s12+s31], $0x280, $0x38;
	[tilespmem:$0x1F400] =	vst v63  }
0x52: {  	s2 =	sand.u32 $0xFF, s2;
	s0 =	sand.u32 $0xFF, s0;
	s15 =	smul.u32 $0xA000, s19  }
0x53: {  	s2 =	sshll.u32 s2, $0x7;
	s0 =	sshll.u32 s0, $0xB  }
0x54: {  	s0 =	sadd.s32 s2, s0;
	s31 =	sshrl.u32 s17, $0x2;
	s12 =	sshrl.u32 s15, $0x2  }
0x55: {  	s0 =	sadd.s32 $0x400, s0;
	s19 =	smul.u32 $0x5, s31;
	s12 =	sadd.s32 $0x1800, s12  }
0x56: {  	[spmem:s3] =	stream.indirect.scatter.add.f32 [tilespmem:s12], [sflag:$0x2], $0x80, s0, s18, $0xb8;
	[tilespmem:$0x1F400] =	vst v63  }
0x57: {  	p0 =	sgt.u32 s30, $0x7A;
	s0 =	sadd.s32 $0xFFFFFFFE, s19  }
0x58: {  	p2 =	sne.s32 @!p0 s0, s30  }
0x59: {  	p2 =	por p0, p2  }
.Ltmp4:
0x5a: {  	p1 =	slt.u32 s30, $0x2;
	(pc) =	sbr.rel @!p2 .LBB2_3-.Ltmp4, $4  }
0x5b: {  	s2 =	simm.s32 @!p1 $0x2  }
0x5c: {  	_ =	swait.ge @!p1 [sflag:s2], $0x2800  }
0x5d: {  	[sflag:s2] =	ssyncset.done @!p1 $0x0  }
0x5e: {  	[sflag:s2] =	ssyncadd.s32 @!p1 $0xFFFFD800  }
.Ltmp5:
0x5f: {  	(pc) =	sbr.rel @p0 .LBB2_6-.Ltmp5, $4  }
.Ltmp6:
0x60: {  	(pc) =	sbr.rel @!p0 .LBB2_5-.Ltmp6, $4  }
0x61: {  	_ = 	snop  }
0x62: {  	_ = 	snop  }
0x63: {  	_ = 	snop  }
0x64: {  	_ = 	snop  }
.LBB2_8:
0x65: {  	_ =	sfence.sel $0x180000  }
0x66: {  	[bflag:$0x0] =	sbarrier.arrive $0xFFFF  }
0x67: {  	_ =	strace $0x9000004A  }
0x68: {  	s0 =	stileid.u32;
	[bflag:$0x2] =	sbarrier.arrive $0xFFFF  }
0x69: {  	p0 =	sne.s32 s0, $0x0;
	s0 =	rddreg [dreg:$0x3]  }
0x6a: {  	s0 =	sadd.s32 @!p0 $0x100000, s0  }
0x6b: {  	[sflag:s0] =	ssyncadd.tile.s32 @!p0 $0x1;
	_ =	shalt  }
.Lfunc_end2:
_tile_overlayer_lowered:
.L_overlay_start_2:
0x6c: {  	(tag) =	ssettag $0x2  }
0x6d: {  	s0 =	rddreg [dreg:$0x0];
	s2 =	stileid.u32  }
0x6e: {  	s1 =	rddreg [dreg:$0x1];
	p0 =	sne.s32 s2, $0x0  }
0x6f: {  	s3 =	rddreg [dreg:$0x2];
	[bflag:$0x3] =	sbarrier.arrive $0xFFFF;
	s2 =	simm.s32 @!p0 $0x1C04  }
0x70: {  	[timem:s3], [sflag:s2] =	dma.local @!p0 [hbm:s0], s1  }
0x71: {  	s0 =	simm.s32 @!p0 $0x4  }
0x72: {  	_ =	swait.ge @!p0 [sflag:s0], s1  }
0x73: {  	s1 =	ssub.s32 @!p0 $0x0, s1;
	[sflag:s0] =	ssyncset.done @!p0 $0x0  }
0x74: {  	[sflag:s0] =	ssyncadd.s32 @!p0 s1  }
0x75: {  	[bflag:$0x3] =	sbarrier.arrive $0xFFFF  }
0x76: {  	_ =	shalt  }

// kernel: _run.15.cloned.1.call-start
scs
__scs_entry_jumppad:
0x0: {  	(pc) =	sbr.rel $0x88, $3  }
0x1: {  	(tag) =	ssettag $0x0;
	lr =	simm.s32 $0x1  }
0x2: {  	[smem:$0x3F9C] =	sst lr;
	_ =	strace $0xD0000000  }
0x3: {  	_ = 	snop  }
0x4: {  	_ = 	snop  }
0x5: {  	_ = 	snop  }
0x6: {  	_ = 	snop  }
0x7: {  	_ = 	snop  }
__scs_overlays_trampoline_lowered:
0x8: {  	[smem:$0x3FAB] =	sst s0  }
0x9: {  	[smem:$0x3FAC] =	sst s1  }
0xa: {  	[smem:$0x3FAD] =	sst s2  }
0xb: {  	[smem:$0x3FAE] =	sst s3  }
0xc: {  	[smem:$0x3FAF] =	sst s4  }
0xd: {  	[smem:$0x3FB0] =	sst s5  }
0xe: {  	[smem:$0x3FB1] =	sst s6  }
0xf: {  	[smem:$0x3FB2] =	sst s7  }
0x10: {  	[smem:$0x3FB3] =	sst s8  }
0x11: {  	[smem:$0x3FB4] =	sst s9;
	s0 =	simm.s32 @!p0 $0x0  }
0x12: {  	s1 =	sld [smem:$0x3F9A];
	s0 =	simm.s32 @p0 $0x1  }
0x13: {  	[smem:$0x3FB5] =	sst s0;
	s0 =	simm.s32 @!p1 $0x0  }
0x14: {  	s2 =	sld [smem:$0x3F99];
	s0 =	simm.s32 @p1 $0x1  }
0x15: {  	[smem:$0x3FB6] =	sst s0;
	s0 =	simm.s32 @!p2 $0x0  }
0x16: {  	s3 =	sld [smem:$0x3FDB];
	s0 =	simm.s32 @p2 $0x1  }
0x17: {  	s4 =	simm.s32 $0x1BF5;
	[smem:$0x3FB8] =	sst s0  }
0x18: {  	s0 =	sld [smem:$0x3F9B];
	_ =	swait.ge [sflag:s4], $0x0  }
0x19: {  	s7 =	sld [smem:$0x3F9C]  }
0x1a: {  	s8 =	sadd.s32 $0xFFFFE003, lr  }
0x1b: {  	s9 =	sadd.s32 $0xFFFFFEF7, lr;
	s5 =	simm.s32 $0xFFFFFFFF;
	p2 =	slt.u32 s8, $0xFFFFF086  }
0x1c: {  	p1 =	slt.u32 s9, $0xF7A;
	s5 =	simm.s32 @!p2 $0x0  }
0x1d: {  	s5 =	simm.s32 @p1 $0x1;
	p0 =	seq.s32 s7, s2  }
0x1e: {  	s7 =	smul.u32 @!p0 $0xF7A, s2;
	p2 =	seq.s32 @!p0 s5, $0x0  }
0x1f: {  	s9 =	smul.u32 $0xF7A, s1;
	s8 =	simm.s32 @!p0 $0x1BF5;
	p2 =	por !p2, p0  }
0x20: {  	[sflag:s8] =	ssyncset.s32 @!p0 $0xFFFFF086;
	s6 =	sadd.s32 @!p0 s3, s7;
	s7 =	simm.s32 @!p0 $0x108  }
0x21: {  	s3 =	sadd.s32 s3, s9;
	s6 =	sadd.s32 @!p0 $0x88, s6;
	s7 =	simm.s32 @p2 $0x1082  }
0x22: {  	[simem:s7], [sflag:s8] =	dma.local @!p0 [hbm:s6], $0xF7A  }
0x23: {  	s9 =	sor.u32 $0xD0000000, s2;
	s6 =	simm.s32 $0x108;
	_ =	swait.ge @!p0 [sflag:s8], $0x0  }
0x24: {  	s3 =	sadd.s32 $0x88, s3;
	s6 =	simm.s32 @!p1 $0x1082;
	[sflag:s4] =	ssyncset.s32 $0xFFFFF086  }
0x25: {  	[simem:s6], [sflag:s4] =	dma.local [hbm:s3], $0xF7A  }
0x26: {  	[smem:$0x3F9C] =	sst s1;
	(tag) =	ssettag s2;
	_ =	strace s9  }
0x27: {  	s1 =	sld [smem:$0x3FAC]  }
0x28: {  	s2 =	sld [smem:$0x3FAD]  }
0x29: {  	s4 =	sld [smem:$0x3FAF]  }
0x2a: {  	p0 =	seq.s32 s5, $0x0;
	s5 =	sld [smem:$0x3FB0]  }
0x2b: {  	s6 =	sld [smem:$0x3FB1]  }
0x2c: {  	s7 =	sld [smem:$0x3FB2]  }
0x2d: {  	s3 =	simm.s32 $0x108;
	s8 =	sld [smem:$0x3FB3]  }
0x2e: {  	s3 =	simm.s32 @!p0 $0x1082;
	s9 =	sld [smem:$0x3FB4]  }
0x2f: {  	lr =	sadd.s32 s0, s3;
	s0 =	sld [smem:$0x3FAB]  }
0x30: {  	s3 =	sld [smem:$0x3FAE]  }
0x31: {  	[smem:$0x3FB7] =	sst s10  }
0x32: {  	s10 =	sld [smem:$0x3FB5];
	_ =	sdelay $0x3  }
0x33: {  	p0 =	seq.s32 s10, $0x1;
	s10 =	sld [smem:$0x3FB7];
	_ =	sdelay $0x3  }
0x34: {  	[smem:$0x3FB7] =	sst s10  }
0x35: {  	s10 =	sld [smem:$0x3FB6];
	_ =	sdelay $0x3  }
0x36: {  	p1 =	seq.s32 s10, $0x1;
	s10 =	sld [smem:$0x3FB7];
	_ =	sdelay $0x3  }
0x37: {  	[smem:$0x3FB7] =	sst s10  }
0x38: {  	s10 =	sld [smem:$0x3FB8]  }
0x39: {  	_ = 	snop;
	(pc) =	sbr.ind lr, $3  }
0x3a: {  	_ = 	snop  }
0x3b: {  	_ = 	snop  }
0x3c: {  	p2 =	seq.s32 s10, $0x1;
	s10 =	sld [smem:$0x3FB7]  }
0x3d: {  	_ =	shalt  }
0x3e: {  	_ =	shalt  }
0x3f: {  	_ =	shalt  }
0x40: {  	_ =	shalt  }
0x41: {  	_ =	shalt  }
0x42: {  	_ =	shalt  }
0x43: {  	_ =	shalt  }
0x44: {  	_ =	shalt  }
0x45: {  	_ =	shalt  }
0x46: {  	_ =	shalt  }
0x47: {  	_ =	shalt  }
0x48: {  	_ =	shalt  }
0x49: {  	_ =	shalt  }
0x4a: {  	_ =	shalt  }
0x4b: {  	_ =	shalt  }
0x4c: {  	_ =	shalt  }
0x4d: {  	_ =	shalt  }
0x4e: {  	_ =	shalt  }
0x4f: {  	_ =	shalt  }
0x50: {  	_ =	shalt  }
0x51: {  	_ =	shalt  }
0x52: {  	_ =	shalt  }
0x53: {  	_ =	shalt  }
0x54: {  	_ =	shalt  }
0x55: {  	_ =	shalt  }
0x56: {  	_ =	shalt  }
0x57: {  	_ =	shalt  }
0x58: {  	_ =	shalt  }
0x59: {  	_ =	shalt  }
0x5a: {  	_ =	shalt  }
0x5b: {  	_ =	shalt  }
0x5c: {  	_ =	shalt  }
0x5d: {  	_ =	shalt  }
0x5e: {  	_ =	shalt  }
0x5f: {  	_ =	shalt  }
0x60: {  	_ =	shalt  }
0x61: {  	_ =	shalt  }
0x62: {  	_ =	shalt  }
0x63: {  	_ =	shalt  }
0x64: {  	_ =	shalt  }
0x65: {  	_ =	shalt  }
0x66: {  	_ =	shalt  }
0x67: {  	_ =	shalt  }
0x68: {  	_ =	shalt  }
0x69: {  	_ =	shalt  }
0x6a: {  	_ =	shalt  }
0x6b: {  	_ =	shalt  }
0x6c: {  	_ =	shalt  }
0x6d: {  	_ =	shalt  }
0x6e: {  	_ =	shalt  }
0x6f: {  	_ =	shalt  }
0x70: {  	_ =	shalt  }
0x71: {  	_ =	shalt  }
0x72: {  	_ =	shalt  }
0x73: {  	_ =	shalt  }
0x74: {  	_ =	shalt  }
0x75: {  	_ =	shalt  }
0x76: {  	_ =	shalt  }
0x77: {  	_ =	shalt  }
0x78: {  	_ =	shalt  }
0x79: {  	_ =	shalt  }
0x7a: {  	_ =	shalt  }
0x7b: {  	_ =	shalt  }
0x7c: {  	_ =	shalt  }
0x7d: {  	_ =	shalt  }
0x7e: {  	_ =	shalt  }
0x7f: {  	_ =	shalt  }
0x80: {  	_ =	shalt  }
0x81: {  	_ =	shalt  }
0x82: {  	_ =	shalt  }
0x83: {  	_ =	shalt  }
0x84: {  	_ =	shalt  }
0x85: {  	_ =	shalt  }
0x86: {  	_ =	shalt  }
0x87: {  	_ =	shalt  }
.Lfunc_end0:
.L_simem_size_0:
called_computation.2_lowered:
.L_overlay_start_0:
0x88: {  	s2 =	sld [smem:$0x3FD9]  }
0x89: {  	s3 =	sld [smem:$0x3FFE];
	_ =	sdelay $0x1  }
0x8a: {  	s1 =	srdreg.scid  }
0x8b: {  	s0 =	sand.u32 $0x1, s1  }
0x8c: {  	s17 =	sshll.u32 s0, $0xA;
	s2 =	sadd.s32 s3, s2  }
0x8d: {  	s2 =	sadd.s32 s2, s17  }
0x8e: {  	[smem:$0x3FC3] =	sst s2  }
0x8f: {  	_ = 	snop  }
0x90: {  	s2 =	sld [smem:$0x3FD0];
	(tm) =	ssettm $0x1  }
0x91: {  	s18 =	sld [smem:$0x3FFB];
	_ =	sdelay $0x3  }
0x92: {  	_ =	strace s18  }
0x93: {  	s3 =	sld [smem:$0x3FFC];
	_ =	sdelay $0x3  }
0x94: {  	_ =	strace s3  }
0x95: {  	s3 =	sld [smem:$0x3FFD];
	_ =	sdelay $0x3  }
0x96: {  	_ =	strace s3  }
0x97: {  	_ =	strace $0x8FFFFFFF  }
0x98: {  	s19 =	sld [smem:$0x3FDB];
	_ =	sdelay $0x1  }
0x99: {  	s4 =	simm.s32 $_scs_section_size  }
0x9a: {  	s5 =	simm.s32 $_size__tile_overlayer_lowered;
	s6 =	simm.s32 $_tile_overlayer_lowered  }
0x9b: {  	s22 =	simm.s32 $0x1BFF;
	s21 =	sshll.u32 s6, $0x1;
	s3 =	sadd.s32 s4, s19  }
0x9c: {  	s7 =	simm.s32 $0x0;
	s20 =	sshll.u32 s5, $0x1;
	s5 =	sadd.s32 s21, s3  }
0x9d: {  	[timem:s7], [sflag:s22] =	dma.local [hbm:s5], s20  }
0x9e: {  	_ =	swait.ge [sflag:s22], s20  }
0x9f: {  	s4 =	ssub.s32 $0x0, s20;
	[sflag:s22] =	ssyncset.done $0x0  }
0xa0: {  	[sflag:s22] =	ssyncadd.s32 s4;
	_ =	sdelay $0x1  }
0xa1: {  	s23 =	simm.s32 $0x1B8B  }
0xa2: {  	_ =	swait.ge [sflag:s23], $0x1  }
0xa3: {  	[sflag:s23] =	ssyncset.done $0x0  }
0xa4: {  	s25 =	simm.s32 $0x1B8E;
	s24 =	sld [smem:$0x3FFE];
	[sflag:s23] =	ssyncadd.s32 $0xFFFFFFFF  }
0xa5: {  	s26 =	simm.s32 $execute0_lowered;
	[smem:$0x3FD2] =	sst s25  }
0xa6: {  	s5 =	sshll.u32 s26, $0x1;
	_ =	strace $0x8000004C;
	[dreg:$0x1] =	wrdreg $0xFFFFFFFF  }
0xa7: {  	s28 =	simm.s32 $_size_execute0_lowered;
	s3 =	sadd.s32 s3, s5;
	[dreg:$0x0] =	wrdreg $0x0  }
0xa8: {  	s5 =	sshll.u32 s28, $0x1;
	[dreg:$0x2] =	wrdreg s3  }
0xa9: {  	[dreg:$0x3] =	wrdreg s5  }
0xaa: {  	[dreg:$0x4] =	wrdreg $0xC0  }
0xab: {  	_ =	task [dreg:s7], $0x5FFFF  }
0xac: {  	[dreg:$0x1] =	wrdreg $0xFFFFFFFF  }
0xad: {  	[dreg:$0x0] =	wrdreg $0x60  }
0xae: {  	[dreg:$0x2] =	wrdreg s2  }
0xaf: {  	[dreg:$0x3] =	wrdreg s24  }
0xb0: {  	[dreg:$0x4] =	wrdreg $0xB8000  }
0xb1: {  	[dreg:$0x5] =	wrdreg $0x9  }
0xb2: {  	_ =	task.clear_ibuf [dreg:s7], $0x6FFFF;
	_ =	strace $0x9000004C  }
0xb3: {  	s29 =	simm.s32 $0x9;
	_ =	strace $0x8000004E  }
0xb4: {  	_ =	swait.ge [sflag:s29], $0x1  }
0xb5: {  	[sflag:s29] =	ssyncadd.s32 $0xFFFFFFFF  }
0xb6: {  	_ =	strace $0x9000004E  }
0xb7: {  	_ =	sfence  }
0xb8: {  	s30 =	sld [smem:$0x0];
	_ =	sdelay $0x2  }
0xb9: {  	s31 =	sshll.u32 s1, $0xD;
	s1 =	sshrl.u32 s1, $0x2  }
0xba: {  	s3 =	sand.u32 $0x4000, s31;
	s1 =	sadd.s32 s1, s30  }
0xbb: {  	s0 =	sor.u32 s3, s0;
	s1 =	sshll.u32 s1, $0x11  }
0xbc: {  	s0 =	sor.u32 s1, s0  }
0xbd: {  	s0 =	sadd.s32 $0x8F2B, s0  }
0xbe: {  	[sflag:s0] =	ssyncadd.remote.s32 $0x1  }
0xbf: {  	_ =	sfence.sel $0xFFFF  }
0xc0: {  	[dreg:$0x0] =	wrdreg $0xFFFFFFFF;
	(pc) =	sbr.abs _section_cstart, $3  }
0xc1: {  	[dreg:$0x1] =	wrdreg $0xFFFFFFFF  }
0xc2: {  	_ =	task.clear_ibuf [dreg:s7], $0x2FFFF;
	_ =	strace $0x9FFFFFFF  }
0xc3: {  	(tm) =	ssettm $0x7FFFFFFF  }
tec
execute0_lowered:
.L_overlay_start_1:
0x0: {  	(tag) =	ssettag $0x1  }
0x1: {  	s1 =	rddreg [dreg:$0x0]  }
0x2: {  	s2 =	srdreg.scid;
	s6 =	rddreg [dreg:$0x1]  }
0x3: {  	s0 =	stileid.u32;
	s3 =	rddreg [dreg:$0x2];
	s4 =	simm.s32 $0x0  }
0x4: {  	s13 =	simm.s32 $0x4;
	s18 =	simm.s32 $0x50;
	s20 =	simm.s32 $0x80  }
0x5: {  	s21 =	simm.s32 $0x4000;
	s22 =	simm.s32 $0x1;
	s23 =	simm.s32 $0x3  }
0x6: {  	s26 =	simm.s32 $0x0;
	s7 =	sand.u32 $0x1, s2;
	s10 =	smul.u32 $0x4F000, s0  }
0x7: {  	s30 =	sshll.u32 s0, $0x1;
	[smem:$0x7FF] =	sst s4;
	s25 =	smul.u32 $0x2780, s0  }
0x8: {  	s5 =	sor.u32 s7, s30;
	s8 =	smul.u32 $0x27800, s7;
	s7 =	ssub.s32 $0x2, s7  }
0x9: {  	_ =	strace $0x8000004D;
	s5 =	smul.u32 $0x1900, s5;
	s31 =	sshrl.u32 s7, $0x1  }
0xa: {  	s10 =	sshrl.u32 s10, $0x2;
	s11 =	sadd.s32 s8, s6;
	s12 =	ssub.s32 s7, s31  }
.Ltmp0:
0xb: {  	s10 =	sadd.s32 s10, s3;
	s9 =	sadd.s32 s5, s6;
	(pc) =	sbr.rel .LBB2_1-.Ltmp0, $4  }
0xc: {  	s5 =	sadd.s32 $0x34800, s6;
	s6 =	sshll.u32 s0, $0x6;
	s24 =	sadd.s32 $0x37000, s11  }
0xd: {  	s10 =	sshrl.u32 s10, $0x3;
	s7 =	sor.u32 $0x1C02, s6;
	s8 =	sadd.s32 $0x2800, s9  }
0xe: {  	s9 =	smax.u32 s12, $0x1;
	s24 =	sadd.s32 s25, s24;
	s25 =	simm.s32 $0x2  }
0xf: {  	s11 =	sadd.s32 $0x80, s8;
	s14 =	sadd.s32 $0x100, s8;
	s16 =	sadd.s32 $0x180, s8  }
.LBB2_7:
0x10: {  	_ =	swait.ge [sflag:s25], $0x2800  }
0x11: {  	[sflag:s25] =	ssyncset.done $0x0  }
0x12: {  	[sflag:s25] =	ssyncadd.s32 $0xFFFFD800  }
0x13: {  	_ =	swait.ge [sflag:s25], $0x2800  }
0x14: {  	s26 =	sadd.s32 $0x1, s26;
	[sflag:s25] =	ssyncset.done $0x0  }
0x15: {  	p0 =	sne.s32 s26, s9;
	[sflag:s25] =	ssyncadd.s32 $0xFFFFD800  }
.Ltmp1:
0x16: {  	s0 =	sor.u32 $0x1C04, s6;
	[bflag:$0x0] =	sbarrier.arrive $0xFFFF;
	(pc) =	sbr.rel @!p0 .LBB2_8-.Ltmp1, $4  }
0x17: {  	[hbm:s24], [sflag:s0] =	dma.local [spmem:s10], $0x2780  }
0x18: {  	_ =	swait.ge [sflag:s13], $0x2780  }
0x19: {  	[sflag:s13] =	ssyncset.done $0x0  }
0x1a: {  	[sflag:s13] =	ssyncadd.s32 $0xFFFFD880  }
.LBB2_1:
0x1b: {  	[spmem:s10], [sflag:s7] =	dma.local [hbm:s5], $0x2780  }
0x1c: {  	[tilespmem:s4], [sflag:$0x4] =	stream.linear.gather [hbm4b:s8+s4], $0x280, $0x38;
	[tilespmem:$0x1F400] =	vst v63  }
0x1d: {  	s0 =	simm.s32 $0x400  }
0x1e: {  	[tilespmem:s0], [sflag:$0x4] =	stream.linear.gather [hbm4b:s11+s4], $0x280, $0x38;
	[tilespmem:$0x1F400] =	vst v63  }
0x1f: {  	_ =	swait.ge [sflag:s13], $0x500  }
0x20: {  	[sflag:s13] =	ssyncset.done $0x0  }
0x21: {  	s17 =	simm.s32 $0x800;
	[sflag:s13] =	ssyncadd.s32 $0xFFFFFB00  }
0x22: {  	[tilespmem:s17], [sflag:$0x3] =	stream.linear.gather [hbm4b:s14+s4], $0x280, $0x38;
	[tilespmem:$0x1F400] =	vst v63  }
0x23: {  	s19 =	simm.s32 $0xC00  }
0x24: {  	[tilespmem:s19], [sflag:$0x3] =	stream.linear.gather [hbm4b:s16+s4], $0x280, $0x38;
	[tilespmem:$0x1F400] =	vst v63  }
0x25: {  	s31 =	simm.s32 $0x1800  }
0x26: {  	[tilespmem:s31], [sflag:$0x1] =	stream.indirect.gather [hbm4b:s1+s18], $0x80, s4, s18, $0xb8;
	[tilespmem:$0x1F400] =	vst v63  }
0x27: {  	_ = 	snop  }
0x28: {  	[tilespmem:s21], [sflag:$0x1] =	stream.indirect.gather [hbm4b:s1+s18], $0x80, s20, s18, $0xb8;
	[tilespmem:$0x1F400] =	vst v63  }
.Ltmp2:
0x29: {  	_ =	swait.ge [sflag:s25], $0x2780;
	(pc) =	sbr.rel .LBB2_2-.Ltmp2, $4  }
0x2a: {  	[sflag:s25] =	ssyncset.done $0x0  }
0x2b: {  	[sflag:s25] =	ssyncadd.s32 $0xFFFFD880  }
0x2c: {  	[bflag:$0x0] =	sbarrier.arrive $0xFFFF  }
0x2d: {  	s28 =	simm.s32 $0x100;
	s29 =	simm.s32 $0x2;
	s30 =	simm.s32 $0x0  }
.LBB2_3:
0x2e: {  	_ =	swait.ge [sflag:s23], $0x500  }
0x2f: {  	[sflag:s23] =	ssyncset.done $0x0  }
0x30: {  	[sflag:s23] =	ssyncadd.s32 $0xFFFFFB00  }
.LBB2_5:
0x31: {  	s0 =	smulhi.u32 $0x88888889, s29;
	_ =	sdelay $0x1  }
0x32: {  	s2 =	smul.u32 $0x1600, s31;
	s12 =	sadd.s32 $0x2, s30;
	s0 =	sshrl.u32 s0, $0x3  }
0x33: {  	s12 =	sand.u32 $0x3, s12;
	s0 =	smul.u32 $0x6000, s0  }
0x34: {  	s12 =	smul.u32 $0xA000, s12  }
0x35: {  	s0 =	ssub.s32 s2, s0  }
0x36: {  	s31 =	sshrl.u32 s12, $0x2;
	s0 =	sshra.s32 s0, $0x2  }
0x37: {  	s2 =	sadd.s32 $0x1800, s31;
	s0 =	sadd.s32 s0, s28  }
0x38: {  	[tilespmem:s2], [sflag:$0x1] =	stream.indirect.gather [hbm4b:s1+s18], $0x80, s0, s18, $0xb8;
	[tilespmem:$0x1F400] =	vst v63  }
.LBB2_6:
0x39: {  	s30 =	sadd.s32 $0x1, s30  }
0x3a: {  	p0 =	sne.s32 s30, $0x7D  }
.Ltmp3:
0x3b: {  	_ = 	snop;
	(pc) =	sbr.rel @!p0 .LBB2_7-.Ltmp3, $2  }
0x3c: {  	_ =	sdelay $0x2  }
0x3d: {  	s29 =	sadd.s32 $0x1, s29;
	s28 =	sadd.s32 $0x80, s28  }
.LBB2_2:
0x3e: {  	s31 =	smul.u32 $0xCD, s30;
	_ =	sdelay $0x1  }
0x3f: {  	s31 =	sshrl.u32 s31, $0xA  }
0x40: {  	s31 =	sand.u32 $0x3F, s31  }
0x41: {  	s2 =	smul.u32 $0x5, s31;
	_ =	sdelay $0x1  }
0x42: {  	p0 =	sgt.u32 s30, $0x72;
	s2 =	ssub.s32 s30, s2  }
0x43: {  	s0 =	sand.u32 @!p0 $0xFF, s2  }
0x44: {  	p1 =	sne.s32 @!p0 s0, $0x2  }
0x45: {  	p0 =	por p1, p0  }
0x46: {  	s12 =	sadd.s32 @!p0 $0x2, s31  }
0x47: {  	s15 =	smul.u32 @!p0 $0x56, s12  }
0x48: {  	s19 =	smul.u32 $0x56, s31  }
0x49: {  	s15 =	sshrl.u32 @!p0 s15, $0x8  }
0x4a: {  	_ =	swait.ge [sflag:s22], $0x2800;
	s0 =	sshrl.u32 s19, $0x8;
	s15 =	smul.u32 @!p0 $0x3, s15  }
0x4b: {  	[sflag:s22] =	ssyncset.done $0x0;
	s0 =	smul.u32 $0x3, s0  }
0x4c: {  	s17 =	smulhi.u32 $0xCCCCCCCD, s29;
	[sflag:s22] =	ssyncadd.s32 $0xFFFFD800;
	s15 =	ssub.s32 @!p0 s12, s15  }
0x4d: {  	s0 =	ssub.s32 s31, s0;
	s12 =	sshll.u32 @!p0 s12, $0x8;
	s15 =	sand.u32 @!p0 $0xFF, s15  }
0x4e: {  	s31 =	simm.s32 @!p0 $0x0;
	s12 =	sadd.s32 @!p0 s8, s12;
	s15 =	sshll.u32 @!p0 s15, $0xB  }
0x4f: {  	[tilespmem:s15], [sflag:$0x3] =	stream.linear.gather @!p0 [hbm4b:s12+s31], $0x280, $0x38;
	[tilespmem:$0x1F400] =	vst v63  }
0x50: {  	s19 =	sand.u32 $0x3, s30;
	s12 =	sadd.s32 @!p0 $0x80, s12;
	s15 =	sor.u32 @!p0 $0x400, s15  }
0x51: {  	[tilespmem:s15], [sflag:$0x3] =	stream.linear.gather @!p0 [hbm4b:s12+s31], $0x280, $0x38;
	[tilespmem:$0x1F400] =	vst v63  }
0x52: {  	s2 =	sand.u32 $0xFF, s2;
	s0 =	sand.u32 $0xFF, s0;
	s15 =	smul.u32 $0xA000, s19  }
0x53: {  	s2 =	sshll.u32 s2, $0x7;
	s0 =	sshll.u32 s0, $0xB  }
0x54: {  	s0 =	sadd.s32 s2, s0;
	s31 =	sshrl.u32 s17, $0x2;
	s12 =	sshrl.u32 s15, $0x2  }
0x55: {  	s0 =	sadd.s32 $0x400, s0;
	s19 =	smul.u32 $0x5, s31;
	s12 =	sadd.s32 $0x1800, s12  }
0x56: {  	[spmem:s3] =	stream.indirect.scatter.add.f32 [tilespmem:s12], [sflag:$0x2], $0x80, s0, s18, $0xb8;
	[tilespmem:$0x1F400] =	vst v63  }
0x57: {  	p0 =	sgt.u32 s30, $0x7A;
	s0 =	sadd.s32 $0xFFFFFFFE, s19  }
0x58: {  	p2 =	sne.s32 @!p0 s0, s30  }
0x59: {  	p2 =	por p0, p2  }
.Ltmp4:
0x5a: {  	p1 =	slt.u32 s30, $0x2;
	(pc) =	sbr.rel @!p2 .LBB2_3-.Ltmp4, $4  }
0x5b: {  	s2 =	simm.s32 @!p1 $0x2  }
0x5c: {  	_ =	swait.ge @!p1 [sflag:s2], $0x2800  }
0x5d: {  	[sflag:s2] =	ssyncset.done @!p1 $0x0  }
0x5e: {  	[sflag:s2] =	ssyncadd.s32 @!p1 $0xFFFFD800  }
.Ltmp5:
0x5f: {  	(pc) =	sbr.rel @p0 .LBB2_6-.Ltmp5, $4  }
.Ltmp6:
0x60: {  	(pc) =	sbr.rel @!p0 .LBB2_5-.Ltmp6, $4  }
0x61: {  	_ = 	snop  }
0x62: {  	_ = 	snop  }
0x63: {  	_ = 	snop  }
0x64: {  	_ = 	snop  }
.LBB2_8:
0x65: {  	_ =	sfence.sel $0x180000  }
0x66: {  	[bflag:$0x0] =	sbarrier.arrive $0xFFFF  }
0x67: {  	_ =	strace $0x9000004D  }
0x68: {  	s0 =	stileid.u32;
	[bflag:$0x2] =	sbarrier.arrive $0xFFFF  }
0x69: {  	p0 =	sne.s32 s0, $0x0;
	s0 =	rddreg [dreg:$0x3]  }
0x6a: {  	s0 =	sadd.s32 @!p0 $0x100000, s0  }
0x6b: {  	[sflag:s0] =	ssyncadd.tile.s32 @!p0 $0x1;
	_ =	shalt  }
.Lfunc_end2:
_tile_overlayer_lowered:
.L_overlay_start_2:
0x6c: {  	(tag) =	ssettag $0x2  }
0x6d: {  	s0 =	rddreg [dreg:$0x0];
	s2 =	stileid.u32  }
0x6e: {  	s1 =	rddreg [dreg:$0x1];
	p0 =	sne.s32 s2, $0x0  }
0x6f: {  	s3 =	rddreg [dreg:$0x2];
	[bflag:$0x3] =	sbarrier.arrive $0xFFFF;
	s2 =	simm.s32 @!p0 $0x1C04  }
0x70: {  	[timem:s3], [sflag:s2] =	dma.local @!p0 [hbm:s0], s1  }
0x71: {  	s0 =	simm.s32 @!p0 $0x4  }
0x72: {  	_ =	swait.ge @!p0 [sflag:s0], s1  }
0x73: {  	s1 =	ssub.s32 @!p0 $0x0, s1;
	[sflag:s0] =	ssyncset.done @!p0 $0x0  }
0x74: {  	[sflag:s0] =	ssyncadd.s32 @!p0 s1  }
0x75: {  	[bflag:$0x3] =	sbarrier.arrive $0xFFFF  }
0x76: {  	_ =	shalt  }

// kernel: _run.9.cloned.1.call-start
scs
__scs_entry_jumppad:
0x0: {  	(pc) =	sbr.rel $0x88, $3  }
0x1: {  	(tag) =	ssettag $0x0;
	lr =	simm.s32 $0x1  }
0x2: {  	[smem:$0x3F9C] =	sst lr;
	_ =	strace $0xD0000000  }
0x3: {  	_ = 	snop  }
0x4: {  	_ = 	snop  }
0x5: {  	_ = 	snop  }
0x6: {  	_ = 	snop  }
0x7: {  	_ = 	snop  }
__scs_overlays_trampoline_lowered:
0x8: {  	[smem:$0x3FAB] =	sst s0  }
0x9: {  	[smem:$0x3FAC] =	sst s1  }
0xa: {  	[smem:$0x3FAD] =	sst s2  }
0xb: {  	[smem:$0x3FAE] =	sst s3  }
0xc: {  	[smem:$0x3FAF] =	sst s4  }
0xd: {  	[smem:$0x3FB0] =	sst s5  }
0xe: {  	[smem:$0x3FB1] =	sst s6  }
0xf: {  	[smem:$0x3FB2] =	sst s7  }
0x10: {  	[smem:$0x3FB3] =	sst s8  }
0x11: {  	[smem:$0x3FB4] =	sst s9;
	s0 =	simm.s32 @!p0 $0x0  }
0x12: {  	s1 =	sld [smem:$0x3F9A];
	s0 =	simm.s32 @p0 $0x1  }
0x13: {  	[smem:$0x3FB5] =	sst s0;
	s0 =	simm.s32 @!p1 $0x0  }
0x14: {  	s2 =	sld [smem:$0x3F99];
	s0 =	simm.s32 @p1 $0x1  }
0x15: {  	[smem:$0x3FB6] =	sst s0;
	s0 =	simm.s32 @!p2 $0x0  }
0x16: {  	s3 =	sld [smem:$0x3FDB];
	s0 =	simm.s32 @p2 $0x1  }
0x17: {  	s4 =	simm.s32 $0x1BF5;
	[smem:$0x3FB8] =	sst s0  }
0x18: {  	s0 =	sld [smem:$0x3F9B];
	_ =	swait.ge [sflag:s4], $0x0  }
0x19: {  	s7 =	sld [smem:$0x3F9C]  }
0x1a: {  	s8 =	sadd.s32 $0xFFFFE003, lr  }
0x1b: {  	s9 =	sadd.s32 $0xFFFFFEF7, lr;
	s5 =	simm.s32 $0xFFFFFFFF;
	p2 =	slt.u32 s8, $0xFFFFF086  }
0x1c: {  	p1 =	slt.u32 s9, $0xF7A;
	s5 =	simm.s32 @!p2 $0x0  }
0x1d: {  	s5 =	simm.s32 @p1 $0x1;
	p0 =	seq.s32 s7, s2  }
0x1e: {  	s7 =	smul.u32 @!p0 $0xF7A, s2;
	p2 =	seq.s32 @!p0 s5, $0x0  }
0x1f: {  	s9 =	smul.u32 $0xF7A, s1;
	s8 =	simm.s32 @!p0 $0x1BF5;
	p2 =	por !p2, p0  }
0x20: {  	[sflag:s8] =	ssyncset.s32 @!p0 $0xFFFFF086;
	s6 =	sadd.s32 @!p0 s3, s7;
	s7 =	simm.s32 @!p0 $0x108  }
0x21: {  	s3 =	sadd.s32 s3, s9;
	s6 =	sadd.s32 @!p0 $0x88, s6;
	s7 =	simm.s32 @p2 $0x1082  }
0x22: {  	[simem:s7], [sflag:s8] =	dma.local @!p0 [hbm:s6], $0xF7A  }
0x23: {  	s9 =	sor.u32 $0xD0000000, s2;
	s6 =	simm.s32 $0x108;
	_ =	swait.ge @!p0 [sflag:s8], $0x0  }
0x24: {  	s3 =	sadd.s32 $0x88, s3;
	s6 =	simm.s32 @!p1 $0x1082;
	[sflag:s4] =	ssyncset.s32 $0xFFFFF086  }
0x25: {  	[simem:s6], [sflag:s4] =	dma.local [hbm:s3], $0xF7A  }
0x26: {  	[smem:$0x3F9C] =	sst s1;
	(tag) =	ssettag s2;
	_ =	strace s9  }
0x27: {  	s1 =	sld [smem:$0x3FAC]  }
0x28: {  	s2 =	sld [smem:$0x3FAD]  }
0x29: {  	s4 =	sld [smem:$0x3FAF]  }
0x2a: {  	p0 =	seq.s32 s5, $0x0;
	s5 =	sld [smem:$0x3FB0]  }
0x2b: {  	s6 =	sld [smem:$0x3FB1]  }
0x2c: {  	s7 =	sld [smem:$0x3FB2]  }
0x2d: {  	s3 =	simm.s32 $0x108;
	s8 =	sld [smem:$0x3FB3]  }
0x2e: {  	s3 =	simm.s32 @!p0 $0x1082;
	s9 =	sld [smem:$0x3FB4]  }
0x2f: {  	lr =	sadd.s32 s0, s3;
	s0 =	sld [smem:$0x3FAB]  }
0x30: {  	s3 =	sld [smem:$0x3FAE]  }
0x31: {  	[smem:$0x3FB7] =	sst s10  }
0x32: {  	s10 =	sld [smem:$0x3FB5];
	_ =	sdelay $0x3  }
0x33: {  	p0 =	seq.s32 s10, $0x1;
	s10 =	sld [smem:$0x3FB7];
	_ =	sdelay $0x3  }
0x34: {  	[smem:$0x3FB7] =	sst s10  }
0x35: {  	s10 =	sld [smem:$0x3FB6];
	_ =	sdelay $0x3  }
0x36: {  	p1 =	seq.s32 s10, $0x1;
	s10 =	sld [smem:$0x3FB7];
	_ =	sdelay $0x3  }
0x37: {  	[smem:$0x3FB7] =	sst s10  }
0x38: {  	s10 =	sld [smem:$0x3FB8]  }
0x39: {  	_ = 	snop;
	(pc) =	sbr.ind lr, $3  }
0x3a: {  	_ = 	snop  }
0x3b: {  	_ = 	snop  }
0x3c: {  	p2 =	seq.s32 s10, $0x1;
	s10 =	sld [smem:$0x3FB7]  }
0x3d: {  	_ =	shalt  }
0x3e: {  	_ =	shalt  }
0x3f: {  	_ =	shalt  }
0x40: {  	_ =	shalt  }
0x41: {  	_ =	shalt  }
0x42: {  	_ =	shalt  }
0x43: {  	_ =	shalt  }
0x44: {  	_ =	shalt  }
0x45: {  	_ =	shalt  }
0x46: {  	_ =	shalt  }
0x47: {  	_ =	shalt  }
0x48: {  	_ =	shalt  }
0x49: {  	_ =	shalt  }
0x4a: {  	_ =	shalt  }
0x4b: {  	_ =	shalt  }
0x4c: {  	_ =	shalt  }
0x4d: {  	_ =	shalt  }
0x4e: {  	_ =	shalt  }
0x4f: {  	_ =	shalt  }
0x50: {  	_ =	shalt  }
0x51: {  	_ =	shalt  }
0x52: {  	_ =	shalt  }
0x53: {  	_ =	shalt  }
0x54: {  	_ =	shalt  }
0x55: {  	_ =	shalt  }
0x56: {  	_ =	shalt  }
0x57: {  	_ =	shalt  }
0x58: {  	_ =	shalt  }
0x59: {  	_ =	shalt  }
0x5a: {  	_ =	shalt  }
0x5b: {  	_ =	shalt  }
0x5c: {  	_ =	shalt  }
0x5d: {  	_ =	shalt  }
0x5e: {  	_ =	shalt  }
0x5f: {  	_ =	shalt  }
0x60: {  	_ =	shalt  }
0x61: {  	_ =	shalt  }
0x62: {  	_ =	shalt  }
0x63: {  	_ =	shalt  }
0x64: {  	_ =	shalt  }
0x65: {  	_ =	shalt  }
0x66: {  	_ =	shalt  }
0x67: {  	_ =	shalt  }
0x68: {  	_ =	shalt  }
0x69: {  	_ =	shalt  }
0x6a: {  	_ =	shalt  }
0x6b: {  	_ =	shalt  }
0x6c: {  	_ =	shalt  }
0x6d: {  	_ =	shalt  }
0x6e: {  	_ =	shalt  }
0x6f: {  	_ =	shalt  }
0x70: {  	_ =	shalt  }
0x71: {  	_ =	shalt  }
0x72: {  	_ =	shalt  }
0x73: {  	_ =	shalt  }
0x74: {  	_ =	shalt  }
0x75: {  	_ =	shalt  }
0x76: {  	_ =	shalt  }
0x77: {  	_ =	shalt  }
0x78: {  	_ =	shalt  }
0x79: {  	_ =	shalt  }
0x7a: {  	_ =	shalt  }
0x7b: {  	_ =	shalt  }
0x7c: {  	_ =	shalt  }
0x7d: {  	_ =	shalt  }
0x7e: {  	_ =	shalt  }
0x7f: {  	_ =	shalt  }
0x80: {  	_ =	shalt  }
0x81: {  	_ =	shalt  }
0x82: {  	_ =	shalt  }
0x83: {  	_ =	shalt  }
0x84: {  	_ =	shalt  }
0x85: {  	_ =	shalt  }
0x86: {  	_ =	shalt  }
0x87: {  	_ =	shalt  }
.Lfunc_end0:
.L_simem_size_0:
called_computation_lowered:
.L_overlay_start_0:
0x88: {  	s2 =	sld [smem:$0x3FD9]  }
0x89: {  	s3 =	sld [smem:$0x3FFE];
	_ =	sdelay $0x1  }
0x8a: {  	s1 =	srdreg.scid  }
0x8b: {  	s0 =	sand.u32 $0x1, s1  }
0x8c: {  	s17 =	sshll.u32 s0, $0xA;
	s2 =	sadd.s32 s3, s2  }
0x8d: {  	s2 =	sadd.s32 s2, s17  }
0x8e: {  	[smem:$0x3FC3] =	sst s2  }
0x8f: {  	_ = 	snop  }
0x90: {  	s2 =	sld [smem:$0x3FD0];
	(tm) =	ssettm $0x1  }
0x91: {  	s18 =	sld [smem:$0x3FFB];
	_ =	sdelay $0x3  }
0x92: {  	_ =	strace s18  }
0x93: {  	s3 =	sld [smem:$0x3FFC];
	_ =	sdelay $0x3  }
0x94: {  	_ =	strace s3  }
0x95: {  	s3 =	sld [smem:$0x3FFD];
	_ =	sdelay $0x3  }
0x96: {  	_ =	strace s3  }
0x97: {  	_ =	strace $0x8FFFFFFF  }
0x98: {  	s19 =	sld [smem:$0x3FDB];
	_ =	sdelay $0x1  }
0x99: {  	s4 =	simm.s32 $_scs_section_size  }
0x9a: {  	s5 =	simm.s32 $_size__tile_overlayer_lowered;
	s6 =	simm.s32 $_tile_overlayer_lowered  }
0x9b: {  	s22 =	simm.s32 $0x1BFF;
	s21 =	sshll.u32 s6, $0x1;
	s3 =	sadd.s32 s4, s19  }
0x9c: {  	s7 =	simm.s32 $0x0;
	s20 =	sshll.u32 s5, $0x1;
	s5 =	sadd.s32 s21, s3  }
0x9d: {  	[timem:s7], [sflag:s22] =	dma.local [hbm:s5], s20  }
0x9e: {  	_ =	swait.ge [sflag:s22], s20  }
0x9f: {  	s4 =	ssub.s32 $0x0, s20;
	[sflag:s22] =	ssyncset.done $0x0  }
0xa0: {  	[sflag:s22] =	ssyncadd.s32 s4;
	_ =	sdelay $0x1  }
0xa1: {  	s23 =	simm.s32 $0x1B8B  }
0xa2: {  	_ =	swait.ge [sflag:s23], $0x1  }
0xa3: {  	[sflag:s23] =	ssyncset.done $0x0  }
0xa4: {  	s25 =	simm.s32 $0x1B8E;
	s24 =	sld [smem:$0x3FFE];
	[sflag:s23] =	ssyncadd.s32 $0xFFFFFFFF  }
0xa5: {  	s26 =	simm.s32 $execute0_lowered;
	[smem:$0x3FD2] =	sst s25  }
0xa6: {  	s5 =	sshll.u32 s26, $0x1;
	_ =	strace $0x80000046;
	[dreg:$0x1] =	wrdreg $0xFFFFFFFF  }
0xa7: {  	s28 =	simm.s32 $_size_execute0_lowered;
	s3 =	sadd.s32 s3, s5;
	[dreg:$0x0] =	wrdreg $0x0  }
0xa8: {  	s5 =	sshll.u32 s28, $0x1;
	[dreg:$0x2] =	wrdreg s3  }
0xa9: {  	[dreg:$0x3] =	wrdreg s5  }
0xaa: {  	[dreg:$0x4] =	wrdreg $0xC0  }
0xab: {  	_ =	task [dreg:s7], $0x5FFFF  }
0xac: {  	[dreg:$0x1] =	wrdreg $0xFFFFFFFF  }
0xad: {  	[dreg:$0x0] =	wrdreg $0x60  }
0xae: {  	[dreg:$0x2] =	wrdreg s24  }
0xaf: {  	[dreg:$0x3] =	wrdreg s2  }
0xb0: {  	[dreg:$0x4] =	wrdreg $0xC8800  }
0xb1: {  	[dreg:$0x5] =	wrdreg $0x9  }
0xb2: {  	_ =	task.clear_ibuf [dreg:s7], $0x6FFFF;
	_ =	strace $0x90000046  }
0xb3: {  	s29 =	simm.s32 $0x9;
	_ =	strace $0x80000048  }
0xb4: {  	_ =	swait.ge [sflag:s29], $0x1  }
0xb5: {  	[sflag:s29] =	ssyncadd.s32 $0xFFFFFFFF  }
0xb6: {  	_ =	strace $0x90000048  }
0xb7: {  	_ =	sfence  }
0xb8: {  	s30 =	sld [smem:$0x0];
	_ =	sdelay $0x2  }
0xb9: {  	s31 =	sshll.u32 s1, $0xD;
	s1 =	sshrl.u32 s1, $0x2  }
0xba: {  	s3 =	sand.u32 $0x4000, s31;
	s1 =	sadd.s32 s1, s30  }
0xbb: {  	s0 =	sor.u32 s3, s0;
	s1 =	sshll.u32 s1, $0x11  }
0xbc: {  	s0 =	sor.u32 s1, s0  }
0xbd: {  	s0 =	sadd.s32 $0x8F2B, s0  }
0xbe: {  	[sflag:s0] =	ssyncadd.remote.s32 $0x1  }
0xbf: {  	_ =	sfence.sel $0xFFFF  }
0xc0: {  	[dreg:$0x0] =	wrdreg $0xFFFFFFFF;
	(pc) =	sbr.abs _section_cstart, $3  }
0xc1: {  	[dreg:$0x1] =	wrdreg $0xFFFFFFFF  }
0xc2: {  	_ =	task.clear_ibuf [dreg:s7], $0x2FFFF;
	_ =	strace $0x9FFFFFFF  }
0xc3: {  	(tm) =	ssettm $0x7FFFFFFF  }
tec
execute0_lowered:
.L_overlay_start_1:
0x0: {  	(tag) =	ssettag $0x1  }
0x1: {  	s4 =	rddreg [dreg:$0x0];
	s1 =	srdreg.scid  }
0x2: {  	s0 =	stileid.u32;
	s7 =	rddreg [dreg:$0x1]  }
0x3: {  	s2 =	rddreg [dreg:$0x2];
	s3 =	simm.s32 $0x0;
	s12 =	simm.s32 $0x1  }
0x4: {  	s15 =	simm.s32 $0x10;
	s16 =	simm.s32 $0x0;
	s8 =	sand.u32 $0x1, s1  }
0x5: {  	s29 =	sshll.u32 s0, $0x1;
	s1 =	rddreg [dreg:$0x3];
	s6 =	smul.u32 $0xA00, s0  }
0x6: {  	[smem:$0x7FF] =	sst s3;
	s31 =	sshll.u32 s0, $0x6;
	s14 =	smul.u32 $0xA0, s0  }
0x7: {  	s5 =	sor.u32 s8, s29;
	_ =	strace $0x80000047;
	s30 =	ssub.s32 $0x2, s8  }
0x8: {  	s8 =	sshll.u32 s8, $0x4;
	s5 =	smul.u32 $0x1900, s5;
	s10 =	sshrl.u32 s30, $0x1  }
0x9: {  	s6 =	sshrl.u32 s6, $0x2;
	s13 =	sadd.s32 s7, s8;
	s10 =	ssub.s32 s30, s10  }
0xa: {  	s11 =	sadd.s32 s6, s2;
	s13 =	sadd.s32 s14, s13;
	s14 =	simm.s32 $0x20  }
0xb: {  	s9 =	sadd.s32 s5, s4;
	s4 =	sadd.s32 $0x34800, s4;
	s5 =	sor.u32 $0x1C02, s31  }
0xc: {  	s7 =	smax.u32 s10, $0x1;
	s8 =	sshrl.u32 s11, $0x3;
	s10 =	simm.s32 $0x50  }
0xd: {  	v0 =	vimm.f32 $1.000000000e+00;
	s11 =	simm.s32 $0xC800;
	s6 =	sadd.s32 $0x2800, s9;
	s9 =	simm.s32 $0x2  }
.LBB2_1:
0xe: {  	[spmem:s8], [sflag:s5] =	dma.local [hbm:s4], $0x50  }
0xf: {  	_ =	swait.ge [sflag:s9], $0x50  }
0x10: {  	s17 =	simm.s32 $0x80;
	s20 =	sadd.s32 $0x0, s6;
	[sflag:s9] =	ssyncset.done $0x0  }
0x11: {  	s18 =	simm.s32 $0x400;
	s19 =	simm.s32 $0x0;
	[sflag:s9] =	ssyncadd.s32 $0xFFFFFFB0  }
.LBB2_2:
0x12: {  	[tilespmem:s19], [sflag:$0x2] =	stream.linear.gather [hbm4b:s20+s3], $0x280, $0x38;
	[tilespmem:$0xCB00] =	vst v63  }
0x13: {  	s20 =	smov.u32 s17;
	s19 =	smov.u32 s18;
	p0 =	sne.s32 s17, $0x1880  }
.Ltmp0:
0x14: {  	s17 =	sadd.s32 $0x80, s17;
	(pc) =	sbr.rel @p0 .LBB2_2-.Ltmp0, $2  }
0x15: {  	_ =	sdelay $0x2  }
0x16: {  	s18 =	sadd.s32 $0x400, s18;
	s20 =	sadd.s32 s20, s6  }
0x17: {  	[tilespmem:s19], [sflag:$0x2] =	stream.linear.gather [hbm4b:s20+s3], $0x280, $0x38;
	[tilespmem:$0xCB00] =	vst v63  }
0x18: {  	_ =	swait.ge [sflag:s9], $0x7D00  }
0x19: {  	[sflag:s9] =	ssyncset.done $0x0  }
0x1a: {  	[sflag:s9] =	ssyncadd.s32 $0xFFFF8300  }
0x1b: {  	s17 =	simm.s32 $0x0;
	[tilespmem:$0xC800] =	vst v0  }
0x1c: {  	s29 =	smul.u32 $0xCD, s17;
	[tilespmem:$0xC810] =	vst v0  }
0x1d: {  	[tilespmem:$0xC820] =	vst v0  }
0x1e: {  	s17 =	sshrl.u32 s29, $0xA;
	[tilespmem:$0xC830] =	vst v0  }
0x1f: {  	[tilespmem:$0xC840] =	vst v0;
	s17 =	sand.u32 $0x3F, s17  }
0x20: {  	[tilespmem:$0xC850] =	vst v0;
	s30 =	smul.u32 $0x5, s17  }
0x21: {  	[tilespmem:$0xC860] =	vst v0;
	s17 =	simm.s32 $0x1  }
0x22: {  	s19 =	simm.s32 $0x2;
	[tilespmem:$0xC870] =	vst v0;
	s18 =	smul.u32 $0xCD, s17;
	s21 =	ssub.s32 $0x0, s30  }
0x23: {  	s31 =	sshll.u32 s29, $0x1;
	[bflag:$0x0] =	sbarrier.arrive $0xFFFF;
	s22 =	sand.u32 $0xF7, s21  }
0x24: {  	s20 =	sshrl.u32 s18, $0xA;
	s21 =	sand.u32 $0x1F800, s31;
	s22 =	sshll.u32 s22, $0x7  }
.LBB2_4:
0x25: {  	s23 =	smul.u32 $0xCD, s19  }
0x26: {  	s20 =	sand.u32 $0x3F, s20;
	s21 =	sor.u32 s22, s21;
	s22 =	smov.u32 s17  }
0x27: {  	s17 =	smov.u32 s19;
	p0 =	sne.s32 s19, $0x7C;
	s20 =	smul.u32 $0x5, s20  }
.Ltmp1:
0x28: {  	s21 =	sor.u32 $0x400, s21;
	(pc) =	sbr.rel @p0 .LBB2_4-.Ltmp1, $4  }
0x29: {  	[spmem:s2] =	stream.indirect.scatter.add.f32 [tilespmem:s11], [sflag:$0x1], $0x1, s21, s10, $0xb8;
	[tilespmem:$0xCB00] =	vst v63  }
0x2a: {  	s19 =	sadd.s32 $0x1, s19;
	s20 =	ssub.s32 s22, s20  }
0x2b: {  	s21 =	sshll.u32 s18, $0x1;
	s18 =	smov.u32 s23;
	s22 =	sand.u32 $0xF7, s20  }
0x2c: {  	s21 =	sand.u32 $0x1F800, s21;
	s20 =	sshrl.u32 s18, $0xA;
	s22 =	sshll.u32 s22, $0x7  }
0x2d: {  	s19 =	sand.u32 $0x3F, s20;
	s31 =	sor.u32 s22, s21  }
0x2e: {  	s19 =	smul.u32 $0x5, s19;
	s20 =	sor.u32 $0x400, s31  }
0x2f: {  	[spmem:s2] =	stream.indirect.scatter.add.f32 [tilespmem:s11], [sflag:$0x1], $0x1, s20, s10, $0xb8;
	[tilespmem:$0xCB00] =	vst v63  }
0x30: {  	s17 =	ssub.s32 s17, s19  }
0x31: {  	s18 =	sshll.u32 s18, $0x1;
	s17 =	sand.u32 $0xF7, s17  }
0x32: {  	s18 =	sand.u32 $0x1F800, s18;
	s17 =	sshll.u32 s17, $0x7  }
0x33: {  	s17 =	sor.u32 s17, s18  }
0x34: {  	s17 =	sor.u32 $0x400, s17  }
0x35: {  	[spmem:s2] =	stream.indirect.scatter.add.f32 [tilespmem:s11], [sflag:$0x1], $0x1, s17, s10, $0xb8;
	[tilespmem:$0xCB00] =	vst v63  }
0x36: {  	_ =	swait.ge [sflag:s12], $0x50  }
0x37: {  	s17 =	simm.s32 $0x7C;
	[sflag:s12] =	ssyncset.done $0x0  }
.LBB2_6:
0x38: {  	p0 =	sne.s32 s17, $0x1;
	s17 =	sadd.s32 $0xFFFFFFFF, s17;
	[sflag:s12] =	ssyncadd.s32 $0xFFFFFFB0  }
.Ltmp2:
0x39: {  	(pc) =	sbr.rel @p0 .LBB2_6-.Ltmp2, $3  }
0x3a: {  	_ =	sdelay $0x1  }
0x3b: {  	_ =	swait.ge [sflag:s12], $0x50  }
0x3c: {  	[sflag:s12] =	ssyncset.done $0x0  }
0x3d: {  	s16 =	sadd.s32 $0x1, s16  }
0x3e: {  	[sflag:s12] =	ssyncadd.s32 $0xFFFFFFB0;
	p0 =	sne.s32 s16, s7  }
.Ltmp3:
0x3f: {  	[bflag:$0x0] =	sbarrier.arrive $0xFFFF;
	(pc) =	sbr.rel @p0 .LBB2_1-.Ltmp3, $4  }
0x40: {  	[hbm:s13@s14], [sflag:s5] =	dma.strided [spmem:s8@s15], $0x50, s12, $0x10   }
0x41: {  	_ =	swait.ge [sflag:s9], $0x50  }
0x42: {  	[sflag:s9] =	ssyncset.done $0x0  }
0x43: {  	[sflag:s9] =	ssyncadd.s32 $0xFFFFFFB0  }
0x44: {  	_ =	sfence.sel $0x180000  }
0x45: {  	[bflag:$0x0] =	sbarrier.arrive $0xFFFF  }
0x46: {  	p0 =	sne.s32 s0, $0x0;
	_ =	strace $0x90000047  }
0x47: {  	s0 =	sadd.s32 @!p0 $0x100000, s1;
	[bflag:$0x2] =	sbarrier.arrive $0xFFFF  }
0x48: {  	[sflag:s0] =	ssyncadd.tile.s32 @!p0 $0x1;
	_ =	shalt  }
.Lfunc_end2:
_tile_overlayer_lowered:
.L_overlay_start_2:
0x49: {  	(tag) =	ssettag $0x2  }
0x4a: {  	s0 =	rddreg [dreg:$0x0];
	s2 =	stileid.u32  }
0x4b: {  	s1 =	rddreg [dreg:$0x1];
	p0 =	sne.s32 s2, $0x0  }
0x4c: {  	s3 =	rddreg [dreg:$0x2];
	[bflag:$0x3] =	sbarrier.arrive $0xFFFF;
	s2 =	simm.s32 @!p0 $0x1C02  }
0x4d: {  	[timem:s3], [sflag:s2] =	dma.local @!p0 [hbm:s0], s1  }
0x4e: {  	s0 =	simm.s32 @!p0 $0x2  }
0x4f: {  	_ =	swait.ge @!p0 [sflag:s0], s1  }
0x50: {  	s1 =	ssub.s32 @!p0 $0x0, s1;
	[sflag:s0] =	ssyncset.done @!p0 $0x0  }
0x51: {  	[sflag:s0] =	ssyncadd.s32 @!p0 s1  }
0x52: {  	[bflag:$0x3] =	sbarrier.arrive $0xFFFF  }
0x53: {  	_ =	shalt  }

</sc_bundles>
